<compile_context>
chip_gen: v7x
topology: tpu7x:2x2x1
jax: 0.10.2.dev20260603
libtpu: 0.0.44.dev20260713+nightly
codegen_flags: <defaults>
</compile_context>

<pallas_src>
import functools

import jax
import jax.numpy as jnp
from jax import lax
from jax.experimental import pallas as pl
from jax.experimental.pallas import tpu as pltpu
from jax.experimental.pallas import tpu_sc as plsc

VOCAB = 1000000
EMBED_DIM = 64
SEQ = 50
BATCH = 16384
LANES = 16


def _pooling_sc(x2d, embed_table):
    info = plsc.get_sparse_core_info()
    nc, ns = info.num_cores, info.num_subcores
    nw = nc * ns
    b_per_w = BATCH // nw

    mesh = plsc.VectorSubcoreMesh(core_axis_name="c", subcore_axis_name="s")

    @functools.partial(
        pl.kernel,
        mesh=mesh,
        compiler_params=pltpu.CompilerParams(use_tc_tiling_on_sc=False),
        out_type=jax.ShapeDtypeStruct((BATCH, EMBED_DIM), jnp.float32),
        scratch_types=[
            pltpu.VMEM((SEQ, b_per_w), jnp.int32),
            pltpu.VMEM((b_per_w, EMBED_DIM), jnp.float32),
            pltpu.SemaphoreType.DMA,
        ],
    )
    def sc_kernel(x_hbm, table_hbm, out_hbm, idx_v, acc_v, sem):
        wid = lax.axis_index("s") * nc + lax.axis_index("c")
        base = wid * b_per_w
        pltpu.sync_copy(x_hbm.at[:, pl.ds(base, b_per_w)], idx_v)

        zf = jnp.zeros((LANES,), jnp.float32)

        def z_body(i, _):
            for q in range(EMBED_DIM // LANES):
                acc_v[i, pl.ds(q * LANES, LANES)] = zf
            return 0

        lax.fori_loop(0, b_per_w, z_body, 0)

        copies = [
            pltpu.async_copy(table_hbm.at[idx_v.at[j]], acc_v, sem, add=True)
            for j in range(SEQ)
        ]
        for cp in copies:
            cp.wait()
        pltpu.sync_copy(acc_v, out_hbm.at[pl.ds(base, b_per_w), :])

    return sc_kernel(x2d, embed_table)


def _tail_tc(sums, W, b2):
    blk = 2048

    def tail_kernel(s_ref, w_ref, b_ref, o_ref):
        s = s_ref[...]
        w = w_ref[...]
        bb = b_ref[...]
        z0 = jnp.sum(s * w[0:1, :], axis=1, keepdims=True) + bb[:, 0:1]
        z1 = jnp.sum(s * w[1:2, :], axis=1, keepdims=True) + bb[:, 1:2]
        s0 = jax.nn.sigmoid(z0)
        s1 = jax.nn.sigmoid(z1)
        m = jnp.maximum(s0, s1)
        lse = m + jnp.log(jnp.exp(s0 - m) + jnp.exp(s1 - m))
        o_ref[...] = jnp.concatenate([s0 - lse, s1 - lse], axis=1)

    return pl.pallas_call(
        tail_kernel,
        grid=(BATCH // blk,),
        in_specs=[
            pl.BlockSpec((blk, EMBED_DIM), lambda i: (i, 0)),
            pl.BlockSpec((2, EMBED_DIM), lambda i: (0, 0)),
            pl.BlockSpec((1, 2), lambda i: (0, 0)),
        ],
        out_specs=pl.BlockSpec((blk, 2), lambda i: (i, 0)),
        out_shape=jax.ShapeDtypeStruct((BATCH, 2), jnp.float32),
    )(sums, W, b2)


def kernel(x, embed_table, W, b):
    sums = _pooling_sc(x.astype(jnp.int32), embed_table)
    return _tail_tc(sums, W, b.reshape(1, 2))

# --- scband reference (transcript-rebuilt; emitter-appended) ---
"""Pipeline reference for scband-cbow-26130581029528 (READ-ONLY COPY).

The authoritative reference and input builder live on the scoring server;
editing this copy changes nothing except your own understanding.
"""

import jax, jax.numpy as jnp
import numpy as np

VOCAB = 1000000
EMBED_DIM = 64
OUTPUT_DIM = 2
SEQ = 50
BATCH = 16384

def setup_inputs(seed: int = 0) -> dict:
    key = jax.random.key(seed)
    k1, k2, k3, k4 = jax.random.split(key, 4)
    x = jax.random.randint(k1, (SEQ, BATCH), 0, VOCAB, dtype=jnp.int64 if jax.config.jax_enable_x64 else jnp.int32)
    embed_table = jax.random.normal(k2, (VOCAB, EMBED_DIM), dtype=jnp.float32)
    # nn.Linear default init: U(-1/sqrt(fan_in), 1/sqrt(fan_in))
    bound = 1.0 / np.sqrt(EMBED_DIM)
    W = jax.random.uniform(k3, (OUTPUT_DIM, EMBED_DIM), minval=-bound, maxval=bound, dtype=jnp.float32)
    b = jax.random.uniform(k4, (OUTPUT_DIM,), minval=-bound, maxval=bound, dtype=jnp.float32)
    return {"x": x, "embed_table": embed_table, "W": W, "b": b}

def reference(x, embed_table, W, b):
    # x: [seq, batch] int; forward does x.t() -> [batch, seq]
    x_t = x.T
    x_embed = jnp.take(embed_table, x_t, axis=0)      # [batch, seq, dim] (SparseCore gather)
    x_flatten = jnp.sum(x_embed, axis=1)               # [batch, dim]
    out = x_flatten @ W.T + b                          # [batch, 2]
    out = jax.nn.sigmoid(out)
    return jax.nn.log_softmax(out, axis=-1)

if __name__ == "__main__":
    import jax
    _d = setup_inputs()
    print(jax.jit(kernel)(*tuple(_d.values())))

</pallas_src>

<mosaic_0001>
#map = affine_map<(d0, d1) -> (0, 0)>
module attributes {stable_mosaic.version = 14 : i64} {
  func.func @sc_kernel(%arg0: i32, %arg1: i32, %arg2: memref<50x16384xi32, #tpu.memory_space<hbm>>, %arg3: memref<1000000x64xf32, #tpu.memory_space<hbm>>, %arg4: memref<16384x64xf32, #tpu.memory_space<hbm>>, %arg5: memref<50x512xi32, #tpu.memory_space<vmem>>, %arg6: memref<512x64xf32, #tpu.memory_space<vmem>>, %arg7: memref<!tpu.dma_semaphore, #tpu.memory_space<semaphore_mem>>) attributes {dimension_semantics = [#tpu.dimension_semantics<core_parallel>, #tpu.dimension_semantics<subcore_parallel>], iteration_bounds = array<i64: 2, 16>, scalar_prefetch = 0 : i64, scratch_operands = 3 : i64, tpu.core_type = #tpu.core_type<sc_vector_subcore>, window_params = [{transform_indices = #map}, {transform_indices = #map}, {transform_indices = #map}]} {
    %mul3A = arith.constant 2 : i32
    %mul3A_0 = arith.muli %arg1, %mul3A : i32
    %add3A = arith.addi %mul3A_0, %arg0 : i32
    %mul3A_1 = arith.constant 512 : i32
    %mul3A_2 = arith.muli %add3A, %mul3A_1 : i32
    "tpu.region"() ({
      %run_scoped3A = tpu.sem_alloc : memref<!tpu.dma_semaphore, #tpu.memory_space<semaphore_mem>>
      %dma_start3A_708 = arith.constant 0 : i32
      %dma_start3A_709 = tpu.memref_slice %arg2[%dma_start3A_708, %mul3A_2] : memref<50x16384xi32, #tpu.memory_space<hbm>> -> memref<50x512xi32, #tpu.memory_space<hbm>>
      %dma_start3A_710 = arith.constant 0 : i32
      %dma_start3A_711 = tpu.memref_slice %arg2[%dma_start3A_710, %mul3A_2] : memref<50x16384xi32, #tpu.memory_space<hbm>> -> memref<50x512xi32, #tpu.memory_space<hbm>>
      tpu.enqueue_dma source(%dma_start3A_711 : memref<50x512xi32, #tpu.memory_space<hbm>>) target(%arg5 : memref<50x512xi32, #tpu.memory_space<vmem>>) target_semaphore(%run_scoped3A : memref<!tpu.dma_semaphore, #tpu.memory_space<semaphore_mem>>)
      %dma_wait3A_712 = arith.constant 0 : i32
      %dma_wait3A_713 = tpu.memref_slice %arg2[%dma_wait3A_712, %mul3A_2] : memref<50x16384xi32, #tpu.memory_space<hbm>> -> memref<50x512xi32, #tpu.memory_space<hbm>>
      %dma_wait3A_714 = arith.constant 0 : i32
      %dma_wait3A_715 = tpu.memref_slice %arg2[%dma_wait3A_714, %mul3A_2] : memref<50x16384xi32, #tpu.memory_space<hbm>> -> memref<50x512xi32, #tpu.memory_space<hbm>>
      tpu.wait_dma2 semaphore(%run_scoped3A : memref<!tpu.dma_semaphore, #tpu.memory_space<semaphore_mem>>) src(%dma_wait3A_715 : memref<50x512xi32, #tpu.memory_space<hbm>>) dst(%arg5 : memref<50x512xi32, #tpu.memory_space<vmem>>)
      tpu.yield
    }) : () -> ()
    %broadcast_in_dim3A = arith.constant 0.000000e+00 : f32
    %broadcast_in_dim3A_3 = vector.broadcast %broadcast_in_dim3A : f32 to vector<16xf32>
    %scan3A = arith.constant 0 : i32
    %scan3A_4 = arith.constant 0 : i32
    %scan3A_5 = arith.constant 512 : i32
    %scan3A_6 = arith.addi %scan3A_4, %scan3A_5 : i32
    %scan3A_7 = arith.constant 1 : i32
    %scan3A_8 = scf.for %scan3A_708 = %scan3A_4 to %scan3A_6 step %scan3A_7 iter_args(%scan3A_709 = %scan3A) -> (i32)  : i32 {
      %swap3A = arith.index_cast %scan3A_708 : i32 to index
      %swap3A_710 = arith.constant 0 : index
      %swap3A_711 = tpu.vector_load %arg6[%swap3A, %swap3A_710] {strides = array<i32>} : memref<512x64xf32, #tpu.memory_space<vmem>>, vector<1x16xf32>,
      %swap3A_712 = vector.shape_cast %swap3A_711 : vector<1x16xf32> to vector<16xf32>
      %swap3A_713 = vector.shape_cast %broadcast_in_dim3A_3 : vector<16xf32> to vector<1x16xf32>
      tpu.vector_store %arg6[%swap3A, %swap3A_710], %swap3A_713 {strides = array<i32>} : memref<512x64xf32, #tpu.memory_space<vmem>>, vector<1x16xf32>,
      %swap3A_714 = arith.index_cast %scan3A_708 : i32 to index
      %swap3A_715 = arith.constant 16 : index
      %swap3A_716 = tpu.vector_load %arg6[%swap3A_714, %swap3A_715] {strides = array<i32>} : memref<512x64xf32, #tpu.memory_space<vmem>>, vector<1x16xf32>,
      %swap3A_717 = vector.shape_cast %swap3A_716 : vector<1x16xf32> to vector<16xf32>
      %swap3A_718 = vector.shape_cast %broadcast_in_dim3A_3 : vector<16xf32> to vector<1x16xf32>
      tpu.vector_store %arg6[%swap3A_714, %swap3A_715], %swap3A_718 {strides = array<i32>} : memref<512x64xf32, #tpu.memory_space<vmem>>, vector<1x16xf32>,
      %swap3A_719 = arith.index_cast %scan3A_708 : i32 to index
      %swap3A_720 = arith.constant 32 : index
      %swap3A_721 = tpu.vector_load %arg6[%swap3A_719, %swap3A_720] {strides = array<i32>} : memref<512x64xf32, #tpu.memory_space<vmem>>, vector<1x16xf32>,
      %swap3A_722 = vector.shape_cast %swap3A_721 : vector<1x16xf32> to vector<16xf32>
      %swap3A_723 = vector.shape_cast %broadcast_in_dim3A_3 : vector<16xf32> to vector<1x16xf32>
      tpu.vector_store %arg6[%swap3A_719, %swap3A_720], %swap3A_723 {strides = array<i32>} : memref<512x64xf32, #tpu.memory_space<vmem>>, vector<1x16xf32>,
      %swap3A_724 = arith.index_cast %scan3A_708 : i32 to index
      %swap3A_725 = arith.constant 48 : index
      %swap3A_726 = tpu.vector_load %arg6[%swap3A_724, %swap3A_725] {strides = array<i32>} : memref<512x64xf32, #tpu.memory_space<vmem>>, vector<1x16xf32>,
      %swap3A_727 = vector.shape_cast %swap3A_726 : vector<1x16xf32> to vector<16xf32>
      %swap3A_728 = vector.shape_cast %broadcast_in_dim3A_3 : vector<16xf32> to vector<1x16xf32>
      tpu.vector_store %arg6[%swap3A_724, %swap3A_725], %swap3A_728 {strides = array<i32>} : memref<512x64xf32, #tpu.memory_space<vmem>>, vector<1x16xf32>,
      %scan3A_729 = arith.constant 0 : i32
      scf.yield %scan3A_729 : i32
    }
    %scan3A_9 = arith.constant 512 : i32
    %dma_start3A = arith.constant 0 : i32
    %dma_start3A_10 = arith.constant 0 : i32
    %dma_start3A_11 = tpu.memref_slice %arg5[%dma_start3A, %dma_start3A_10] : memref<50x512xi32, #tpu.memory_space<vmem>> -> memref<1x512xi32, #tpu.memory_space<vmem>>
    %dma_start3A_12 = tpu.memref_squeeze %dma_start3A_11 : memref<1x512xi32, #tpu.memory_space<vmem>> -> memref<512xi32, #tpu.memory_space<vmem>>
    %dma_start3A_13 = arith.constant 0 : i32
    %dma_start3A_14 = arith.constant 0 : i32
    %dma_start3A_15 = tpu.memref_slice %arg3[%dma_start3A_13, %dma_start3A_14] : memref<1000000x64xf32, #tpu.memory_space<hbm>> -> memref<1000000x64xf32, #tpu.memory_space<hbm>>
    tpu.enqueue_indirect_dma source(%dma_start3A_15 : memref<1000000x64xf32, #tpu.memory_space<hbm>>) target(%arg6 : memref<512x64xf32, #tpu.memory_space<vmem>>) offsets(%dma_start3A_12 : memref<512xi32, #tpu.memory_space<vmem>>) semaphore(%arg7 : memref<!tpu.dma_semaphore, #tpu.memory_space<semaphore_mem>>) {add = true}
    %dma_start3A_16 = arith.constant 1 : i32
    %dma_start3A_17 = arith.constant 0 : i32
    %dma_start3A_18 = tpu.memref_slice %arg5[%dma_start3A_16, %dma_start3A_17] : memref<50x512xi32, #tpu.memory_space<vmem>> -> memref<1x512xi32, #tpu.memory_space<vmem>>
    %dma_start3A_19 = tpu.memref_squeeze %dma_start3A_18 : memref<1x512xi32, #tpu.memory_space<vmem>> -> memref<512xi32, #tpu.memory_space<vmem>>
    %dma_start3A_20 = arith.constant 0 : i32
    %dma_start3A_21 = arith.constant 0 : i32
    %dma_start3A_22 = tpu.memref_slice %arg3[%dma_start3A_20, %dma_start3A_21] : memref<1000000x64xf32, #tpu.memory_space<hbm>> -> memref<1000000x64xf32, #tpu.memory_space<hbm>>
    tpu.enqueue_indirect_dma source(%dma_start3A_22 : memref<1000000x64xf32, #tpu.memory_space<hbm>>) target(%arg6 : memref<512x64xf32, #tpu.memory_space<vmem>>) offsets(%dma_start3A_19 : memref<512xi32, #tpu.memory_space<vmem>>) semaphore(%arg7 : memref<!tpu.dma_semaphore, #tpu.memory_space<semaphore_mem>>) {add = true}
    %dma_start3A_23 = arith.constant 2 : i32
    %dma_start3A_24 = arith.constant 0 : i32
    %dma_start3A_25 = tpu.memref_slice %arg5[%dma_start3A_23, %dma_start3A_24] : memref<50x512xi32, #tpu.memory_space<vmem>> -> memref<1x512xi32, #tpu.memory_space<vmem>>
    %dma_start3A_26 = tpu.memref_squeeze %dma_start3A_25 : memref<1x512xi32, #tpu.memory_space<vmem>> -> memref<512xi32, #tpu.memory_space<vmem>>
    %dma_start3A_27 = arith.constant 0 : i32
    %dma_start3A_28 = arith.constant 0 : i32
    %dma_start3A_29 = tpu.memref_slice %arg3[%dma_start3A_27, %dma_start3A_28] : memref<1000000x64xf32, #tpu.memory_space<hbm>> -> memref<1000000x64xf32, #tpu.memory_space<hbm>>
    tpu.enqueue_indirect_dma source(%dma_start3A_29 : memref<1000000x64xf32, #tpu.memory_space<hbm>>) target(%arg6 : memref<512x64xf32, #tpu.memory_space<vmem>>) offsets(%dma_start3A_26 : memref<512xi32, #tpu.memory_space<vmem>>) semaphore(%arg7 : memref<!tpu.dma_semaphore, #tpu.memory_space<semaphore_mem>>) {add = true}
    %dma_start3A_30 = arith.constant 3 : i32
    %dma_start3A_31 = arith.constant 0 : i32
    %dma_start3A_32 = tpu.memref_slice %arg5[%dma_start3A_30, %dma_start3A_31] : memref<50x512xi32, #tpu.memory_space<vmem>> -> memref<1x512xi32, #tpu.memory_space<vmem>>
    %dma_start3A_33 = tpu.memref_squeeze %dma_start3A_32 : memref<1x512xi32, #tpu.memory_space<vmem>> -> memref<512xi32, #tpu.memory_space<vmem>>
    %dma_start3A_34 = arith.constant 0 : i32
    %dma_start3A_35 = arith.constant 0 : i32
    %dma_start3A_36 = tpu.memref_slice %arg3[%dma_start3A_34, %dma_start3A_35] : memref<1000000x64xf32, #tpu.memory_space<hbm>> -> memref<1000000x64xf32, #tpu.memory_space<hbm>>
    tpu.enqueue_indirect_dma source(%dma_start3A_36 : memref<1000000x64xf32, #tpu.memory_space<hbm>>) target(%arg6 : memref<512x64xf32, #tpu.memory_space<vmem>>) offsets(%dma_start3A_33 : memref<512xi32, #tpu.memory_space<vmem>>) semaphore(%arg7 : memref<!tpu.dma_semaphore, #tpu.memory_space<semaphore_mem>>) {add = true}
    %dma_start3A_37 = arith.constant 4 : i32
    %dma_start3A_38 = arith.constant 0 : i32
    %dma_start3A_39 = tpu.memref_slice %arg5[%dma_start3A_37, %dma_start3A_38] : memref<50x512xi32, #tpu.memory_space<vmem>> -> memref<1x512xi32, #tpu.memory_space<vmem>>
    %dma_start3A_40 = tpu.memref_squeeze %dma_start3A_39 : memref<1x512xi32, #tpu.memory_space<vmem>> -> memref<512xi32, #tpu.memory_space<vmem>>
    %dma_start3A_41 = arith.constant 0 : i32
    %dma_start3A_42 = arith.constant 0 : i32
    %dma_start3A_43 = tpu.memref_slice %arg3[%dma_start3A_41, %dma_start3A_42] : memref<1000000x64xf32, #tpu.memory_space<hbm>> -> memref<1000000x64xf32, #tpu.memory_space<hbm>>
    tpu.enqueue_indirect_dma source(%dma_start3A_43 : memref<1000000x64xf32, #tpu.memory_space<hbm>>) target(%arg6 : memref<512x64xf32, #tpu.memory_space<vmem>>) offsets(%dma_start3A_40 : memref<512xi32, #tpu.memory_space<vmem>>) semaphore(%arg7 : memref<!tpu.dma_semaphore, #tpu.memory_space<semaphore_mem>>) {add = true}
    %dma_start3A_44 = arith.constant 5 : i32
    %dma_start3A_45 = arith.constant 0 : i32
    %dma_start3A_46 = tpu.memref_slice %arg5[%dma_start3A_44, %dma_start3A_45] : memref<50x512xi32, #tpu.memory_space<vmem>> -> memref<1x512xi32, #tpu.memory_space<vmem>>
    %dma_start3A_47 = tpu.memref_squeeze %dma_start3A_46 : memref<1x512xi32, #tpu.memory_space<vmem>> -> memref<512xi32, #tpu.memory_space<vmem>>
    %dma_start3A_48 = arith.constant 0 : i32
    %dma_start3A_49 = arith.constant 0 : i32
    %dma_start3A_50 = tpu.memref_slice %arg3[%dma_start3A_48, %dma_start3A_49] : memref<1000000x64xf32, #tpu.memory_space<hbm>> -> memref<1000000x64xf32, #tpu.memory_space<hbm>>
    tpu.enqueue_indirect_dma source(%dma_start3A_50 : memref<1000000x64xf32, #tpu.memory_space<hbm>>) target(%arg6 : memref<512x64xf32, #tpu.memory_space<vmem>>) offsets(%dma_start3A_47 : memref<512xi32, #tpu.memory_space<vmem>>) semaphore(%arg7 : memref<!tpu.dma_semaphore, #tpu.memory_space<semaphore_mem>>) {add = true}
    %dma_start3A_51 = arith.constant 6 : i32
    %dma_start3A_52 = arith.constant 0 : i32
    %dma_start3A_53 = tpu.memref_slice %arg5[%dma_start3A_51, %dma_start3A_52] : memref<50x512xi32, #tpu.memory_space<vmem>> -> memref<1x512xi32, #tpu.memory_space<vmem>>
    %dma_start3A_54 = tpu.memref_squeeze %dma_start3A_53 : memref<1x512xi32, #tpu.memory_space<vmem>> -> memref<512xi32, #tpu.memory_space<vmem>>
    %dma_start3A_55 = arith.constant 0 : i32
    %dma_start3A_56 = arith.constant 0 : i32
    %dma_start3A_57 = tpu.memref_slice %arg3[%dma_start3A_55, %dma_start3A_56] : memref<1000000x64xf32, #tpu.memory_space<hbm>> -> memref<1000000x64xf32, #tpu.memory_space<hbm>>
    tpu.enqueue_indirect_dma source(%dma_start3A_57 : memref<1000000x64xf32, #tpu.memory_space<hbm>>) target(%arg6 : memref<512x64xf32, #tpu.memory_space<vmem>>) offsets(%dma_start3A_54 : memref<512xi32, #tpu.memory_space<vmem>>) semaphore(%arg7 : memref<!tpu.dma_semaphore, #tpu.memory_space<semaphore_mem>>) {add = true}
    %dma_start3A_58 = arith.constant 7 : i32
    %dma_start3A_59 = arith.constant 0 : i32
    %dma_start3A_60 = tpu.memref_slice %arg5[%dma_start3A_58, %dma_start3A_59] : memref<50x512xi32, #tpu.memory_space<vmem>> -> memref<1x512xi32, #tpu.memory_space<vmem>>
    %dma_start3A_61 = tpu.memref_squeeze %dma_start3A_60 : memref<1x512xi32, #tpu.memory_space<vmem>> -> memref<512xi32, #tpu.memory_space<vmem>>
    %dma_start3A_62 = arith.constant 0 : i32
    %dma_start3A_63 = arith.constant 0 : i32
    %dma_start3A_64 = tpu.memref_slice %arg3[%dma_start3A_62, %dma_start3A_63] : memref<1000000x64xf32, #tpu.memory_space<hbm>> -> memref<1000000x64xf32, #tpu.memory_space<hbm>>
    tpu.enqueue_indirect_dma source(%dma_start3A_64 : memref<1000000x64xf32, #tpu.memory_space<hbm>>) target(%arg6 : memref<512x64xf32, #tpu.memory_space<vmem>>) offsets(%dma_start3A_61 : memref<512xi32, #tpu.memory_space<vmem>>) semaphore(%arg7 : memref<!tpu.dma_semaphore, #tpu.memory_space<semaphore_mem>>) {add = true}
    %dma_start3A_65 = arith.constant 8 : i32
    %dma_start3A_66 = arith.constant 0 : i32
    %dma_start3A_67 = tpu.memref_slice %arg5[%dma_start3A_65, %dma_start3A_66] : memref<50x512xi32, #tpu.memory_space<vmem>> -> memref<1x512xi32, #tpu.memory_space<vmem>>
    %dma_start3A_68 = tpu.memref_squeeze %dma_start3A_67 : memref<1x512xi32, #tpu.memory_space<vmem>> -> memref<512xi32, #tpu.memory_space<vmem>>
    %dma_start3A_69 = arith.constant 0 : i32
    %dma_start3A_70 = arith.constant 0 : i32
    %dma_start3A_71 = tpu.memref_slice %arg3[%dma_start3A_69, %dma_start3A_70] : memref<1000000x64xf32, #tpu.memory_space<hbm>> -> memref<1000000x64xf32, #tpu.memory_space<hbm>>
    tpu.enqueue_indirect_dma source(%dma_start3A_71 : memref<1000000x64xf32, #tpu.memory_space<hbm>>) target(%arg6 : memref<512x64xf32, #tpu.memory_space<vmem>>) offsets(%dma_start3A_68 : memref<512xi32, #tpu.memory_space<vmem>>) semaphore(%arg7 : memref<!tpu.dma_semaphore, #tpu.memory_space<semaphore_mem>>) {add = true}
    %dma_start3A_72 = arith.constant 9 : i32
    %dma_start3A_73 = arith.constant 0 : i32
    %dma_start3A_74 = tpu.memref_slice %arg5[%dma_start3A_72, %dma_start3A_73] : memref<50x512xi32, #tpu.memory_space<vmem>> -> memref<1x512xi32, #tpu.memory_space<vmem>>
    %dma_start3A_75 = tpu.memref_squeeze %dma_start3A_74 : memref<1x512xi32, #tpu.memory_space<vmem>> -> memref<512xi32, #tpu.memory_space<vmem>>
    %dma_start3A_76 = arith.constant 0 : i32
    %dma_start3A_77 = arith.constant 0 : i32
    %dma_start3A_78 = tpu.memref_slice %arg3[%dma_start3A_76, %dma_start3A_77] : memref<1000000x64xf32, #tpu.memory_space<hbm>> -> memref<1000000x64xf32, #tpu.memory_space<hbm>>
    tpu.enqueue_indirect_dma source(%dma_start3A_78 : memref<1000000x64xf32, #tpu.memory_space<hbm>>) target(%arg6 : memref<512x64xf32, #tpu.memory_space<vmem>>) offsets(%dma_start3A_75 : memref<512xi32, #tpu.memory_space<vmem>>) semaphore(%arg7 : memref<!tpu.dma_semaphore, #tpu.memory_space<semaphore_mem>>) {add = true}
    %dma_start3A_79 = arith.constant 10 : i32
    %dma_start3A_80 = arith.constant 0 : i32
    %dma_start3A_81 = tpu.memref_slice %arg5[%dma_start3A_79, %dma_start3A_80] : memref<50x512xi32, #tpu.memory_space<vmem>> -> memref<1x512xi32, #tpu.memory_space<vmem>>
    %dma_start3A_82 = tpu.memref_squeeze %dma_start3A_81 : memref<1x512xi32, #tpu.memory_space<vmem>> -> memref<512xi32, #tpu.memory_space<vmem>>
    %dma_start3A_83 = arith.constant 0 : i32
    %dma_start3A_84 = arith.constant 0 : i32
    %dma_start3A_85 = tpu.memref_slice %arg3[%dma_start3A_83, %dma_start3A_84] : memref<1000000x64xf32, #tpu.memory_space<hbm>> -> memref<1000000x64xf32, #tpu.memory_space<hbm>>
    tpu.enqueue_indirect_dma source(%dma_start3A_85 : memref<1000000x64xf32, #tpu.memory_space<hbm>>) target(%arg6 : memref<512x64xf32, #tpu.memory_space<vmem>>) offsets(%dma_start3A_82 : memref<512xi32, #tpu.memory_space<vmem>>) semaphore(%arg7 : memref<!tpu.dma_semaphore, #tpu.memory_space<semaphore_mem>>) {add = true}
    %dma_start3A_86 = arith.constant 11 : i32
    %dma_start3A_87 = arith.constant 0 : i32
    %dma_start3A_88 = tpu.memref_slice %arg5[%dma_start3A_86, %dma_start3A_87] : memref<50x512xi32, #tpu.memory_space<vmem>> -> memref<1x512xi32, #tpu.memory_space<vmem>>
    %dma_start3A_89 = tpu.memref_squeeze %dma_start3A_88 : memref<1x512xi32, #tpu.memory_space<vmem>> -> memref<512xi32, #tpu.memory_space<vmem>>
    %dma_start3A_90 = arith.constant 0 : i32
    %dma_start3A_91 = arith.constant 0 : i32
    %dma_start3A_92 = tpu.memref_slice %arg3[%dma_start3A_90, %dma_start3A_91] : memref<1000000x64xf32, #tpu.memory_space<hbm>> -> memref<1000000x64xf32, #tpu.memory_space<hbm>>
    tpu.enqueue_indirect_dma source(%dma_start3A_92 : memref<1000000x64xf32, #tpu.memory_space<hbm>>) target(%arg6 : memref<512x64xf32, #tpu.memory_space<vmem>>) offsets(%dma_start3A_89 : memref<512xi32, #tpu.memory_space<vmem>>) semaphore(%arg7 : memref<!tpu.dma_semaphore, #tpu.memory_space<semaphore_mem>>) {add = true}
    %dma_start3A_93 = arith.constant 12 : i32
    %dma_start3A_94 = arith.constant 0 : i32
    %dma_start3A_95 = tpu.memref_slice %arg5[%dma_start3A_93, %dma_start3A_94] : memref<50x512xi32, #tpu.memory_space<vmem>> -> memref<1x512xi32, #tpu.memory_space<vmem>>
    %dma_start3A_96 = tpu.memref_squeeze %dma_start3A_95 : memref<1x512xi32, #tpu.memory_space<vmem>> -> memref<512xi32, #tpu.memory_space<vmem>>
    %dma_start3A_97 = arith.constant 0 : i32
    %dma_start3A_98 = arith.constant 0 : i32
    %dma_start3A_99 = tpu.memref_slice %arg3[%dma_start3A_97, %dma_start3A_98] : memref<1000000x64xf32, #tpu.memory_space<hbm>> -> memref<1000000x64xf32, #tpu.memory_space<hbm>>
    tpu.enqueue_indirect_dma source(%dma_start3A_99 : memref<1000000x64xf32, #tpu.memory_space<hbm>>) target(%arg6 : memref<512x64xf32, #tpu.memory_space<vmem>>) offsets(%dma_start3A_96 : memref<512xi32, #tpu.memory_space<vmem>>) semaphore(%arg7 : memref<!tpu.dma_semaphore, #tpu.memory_space<semaphore_mem>>) {add = true}
    %dma_start3A_100 = arith.constant 13 : i32
    %dma_start3A_101 = arith.constant 0 : i32
    %dma_start3A_102 = tpu.memref_slice %arg5[%dma_start3A_100, %dma_start3A_101] : memref<50x512xi32, #tpu.memory_space<vmem>> -> memref<1x512xi32, #tpu.memory_space<vmem>>
    %dma_start3A_103 = tpu.memref_squeeze %dma_start3A_102 : memref<1x512xi32, #tpu.memory_space<vmem>> -> memref<512xi32, #tpu.memory_space<vmem>>
    %dma_start3A_104 = arith.constant 0 : i32
    %dma_start3A_105 = arith.constant 0 : i32
    %dma_start3A_106 = tpu.memref_slice %arg3[%dma_start3A_104, %dma_start3A_105] : memref<1000000x64xf32, #tpu.memory_space<hbm>> -> memref<1000000x64xf32, #tpu.memory_space<hbm>>
    tpu.enqueue_indirect_dma source(%dma_start3A_106 : memref<1000000x64xf32, #tpu.memory_space<hbm>>) target(%arg6 : memref<512x64xf32, #tpu.memory_space<vmem>>) offsets(%dma_start3A_103 : memref<512xi32, #tpu.memory_space<vmem>>) semaphore(%arg7 : memref<!tpu.dma_semaphore, #tpu.memory_space<semaphore_mem>>) {add = true}
    %dma_start3A_107 = arith.constant 14 : i32
    %dma_start3A_108 = arith.constant 0 : i32
    %dma_start3A_109 = tpu.memref_slice %arg5[%dma_start3A_107, %dma_start3A_108] : memref<50x512xi32, #tpu.memory_space<vmem>> -> memref<1x512xi32, #tpu.memory_space<vmem>>
    %dma_start3A_110 = tpu.memref_squeeze %dma_start3A_109 : memref<1x512xi32, #tpu.memory_space<vmem>> -> memref<512xi32, #tpu.memory_space<vmem>>
    %dma_start3A_111 = arith.constant 0 : i32
    %dma_start3A_112 = arith.constant 0 : i32
    %dma_start3A_113 = tpu.memref_slice %arg3[%dma_start3A_111, %dma_start3A_112] : memref<1000000x64xf32, #tpu.memory_space<hbm>> -> memref<1000000x64xf32, #tpu.memory_space<hbm>>
    tpu.enqueue_indirect_dma source(%dma_start3A_113 : memref<1000000x64xf32, #tpu.memory_space<hbm>>) target(%arg6 : memref<512x64xf32, #tpu.memory_space<vmem>>) offsets(%dma_start3A_110 : memref<512xi32, #tpu.memory_space<vmem>>) semaphore(%arg7 : memref<!tpu.dma_semaphore, #tpu.memory_space<semaphore_mem>>) {add = true}
    %dma_start3A_114 = arith.constant 15 : i32
    %dma_start3A_115 = arith.constant 0 : i32
    %dma_start3A_116 = tpu.memref_slice %arg5[%dma_start3A_114, %dma_start3A_115] : memref<50x512xi32, #tpu.memory_space<vmem>> -> memref<1x512xi32, #tpu.memory_space<vmem>>
    %dma_start3A_117 = tpu.memref_squeeze %dma_start3A_116 : memref<1x512xi32, #tpu.memory_space<vmem>> -> memref<512xi32, #tpu.memory_space<vmem>>
    %dma_start3A_118 = arith.constant 0 : i32
    %dma_start3A_119 = arith.constant 0 : i32
    %dma_start3A_120 = tpu.memref_slice %arg3[%dma_start3A_118, %dma_start3A_119] : memref<1000000x64xf32, #tpu.memory_space<hbm>> -> memref<1000000x64xf32, #tpu.memory_space<hbm>>
    tpu.enqueue_indirect_dma source(%dma_start3A_120 : memref<1000000x64xf32, #tpu.memory_space<hbm>>) target(%arg6 : memref<512x64xf32, #tpu.memory_space<vmem>>) offsets(%dma_start3A_117 : memref<512xi32, #tpu.memory_space<vmem>>) semaphore(%arg7 : memref<!tpu.dma_semaphore, #tpu.memory_space<semaphore_mem>>) {add = true}
    %dma_start3A_121 = arith.constant 16 : i32
    %dma_start3A_122 = arith.constant 0 : i32
    %dma_start3A_123 = tpu.memref_slice %arg5[%dma_start3A_121, %dma_start3A_122] : memref<50x512xi32, #tpu.memory_space<vmem>> -> memref<1x512xi32, #tpu.memory_space<vmem>>
    %dma_start3A_124 = tpu.memref_squeeze %dma_start3A_123 : memref<1x512xi32, #tpu.memory_space<vmem>> -> memref<512xi32, #tpu.memory_space<vmem>>
    %dma_start3A_125 = arith.constant 0 : i32
    %dma_start3A_126 = arith.constant 0 : i32
    %dma_start3A_127 = tpu.memref_slice %arg3[%dma_start3A_125, %dma_start3A_126] : memref<1000000x64xf32, #tpu.memory_space<hbm>> -> memref<1000000x64xf32, #tpu.memory_space<hbm>>
    tpu.enqueue_indirect_dma source(%dma_start3A_127 : memref<1000000x64xf32, #tpu.memory_space<hbm>>) target(%arg6 : memref<512x64xf32, #tpu.memory_space<vmem>>) offsets(%dma_start3A_124 : memref<512xi32, #tpu.memory_space<vmem>>) semaphore(%arg7 : memref<!tpu.dma_semaphore, #tpu.memory_space<semaphore_mem>>) {add = true}
    %dma_start3A_128 = arith.constant 17 : i32
    %dma_start3A_129 = arith.constant 0 : i32
    %dma_start3A_130 = tpu.memref_slice %arg5[%dma_start3A_128, %dma_start3A_129] : memref<50x512xi32, #tpu.memory_space<vmem>> -> memref<1x512xi32, #tpu.memory_space<vmem>>
    %dma_start3A_131 = tpu.memref_squeeze %dma_start3A_130 : memref<1x512xi32, #tpu.memory_space<vmem>> -> memref<512xi32, #tpu.memory_space<vmem>>
    %dma_start3A_132 = arith.constant 0 : i32
    %dma_start3A_133 = arith.constant 0 : i32
    %dma_start3A_134 = tpu.memref_slice %arg3[%dma_start3A_132, %dma_start3A_133] : memref<1000000x64xf32, #tpu.memory_space<hbm>> -> memref<1000000x64xf32, #tpu.memory_space<hbm>>
    tpu.enqueue_indirect_dma source(%dma_start3A_134 : memref<1000000x64xf32, #tpu.memory_space<hbm>>) target(%arg6 : memref<512x64xf32, #tpu.memory_space<vmem>>) offsets(%dma_start3A_131 : memref<512xi32, #tpu.memory_space<vmem>>) semaphore(%arg7 : memref<!tpu.dma_semaphore, #tpu.memory_space<semaphore_mem>>) {add = true}
    %dma_start3A_135 = arith.constant 18 : i32
    %dma_start3A_136 = arith.constant 0 : i32
    %dma_start3A_137 = tpu.memref_slice %arg5[%dma_start3A_135, %dma_start3A_136] : memref<50x512xi32, #tpu.memory_space<vmem>> -> memref<1x512xi32, #tpu.memory_space<vmem>>
    %dma_start3A_138 = tpu.memref_squeeze %dma_start3A_137 : memref<1x512xi32, #tpu.memory_space<vmem>> -> memref<512xi32, #tpu.memory_space<vmem>>
    %dma_start3A_139 = arith.constant 0 : i32
    %dma_start3A_140 = arith.constant 0 : i32
    %dma_start3A_141 = tpu.memref_slice %arg3[%dma_start3A_139, %dma_start3A_140] : memref<1000000x64xf32, #tpu.memory_space<hbm>> -> memref<1000000x64xf32, #tpu.memory_space<hbm>>
    tpu.enqueue_indirect_dma source(%dma_start3A_141 : memref<1000000x64xf32, #tpu.memory_space<hbm>>) target(%arg6 : memref<512x64xf32, #tpu.memory_space<vmem>>) offsets(%dma_start3A_138 : memref<512xi32, #tpu.memory_space<vmem>>) semaphore(%arg7 : memref<!tpu.dma_semaphore, #tpu.memory_space<semaphore_mem>>) {add = true}
    %dma_start3A_142 = arith.constant 19 : i32
    %dma_start3A_143 = arith.constant 0 : i32
    %dma_start3A_144 = tpu.memref_slice %arg5[%dma_start3A_142, %dma_start3A_143] : memref<50x512xi32, #tpu.memory_space<vmem>> -> memref<1x512xi32, #tpu.memory_space<vmem>>
    %dma_start3A_145 = tpu.memref_squeeze %dma_start3A_144 : memref<1x512xi32, #tpu.memory_space<vmem>> -> memref<512xi32, #tpu.memory_space<vmem>>
    %dma_start3A_146 = arith.constant 0 : i32
    %dma_start3A_147 = arith.constant 0 : i32
    %dma_start3A_148 = tpu.memref_slice %arg3[%dma_start3A_146, %dma_start3A_147] : memref<1000000x64xf32, #tpu.memory_space<hbm>> -> memref<1000000x64xf32, #tpu.memory_space<hbm>>
    tpu.enqueue_indirect_dma source(%dma_start3A_148 : memref<1000000x64xf32, #tpu.memory_space<hbm>>) target(%arg6 : memref<512x64xf32, #tpu.memory_space<vmem>>) offsets(%dma_start3A_145 : memref<512xi32, #tpu.memory_space<vmem>>) semaphore(%arg7 : memref<!tpu.dma_semaphore, #tpu.memory_space<semaphore_mem>>) {add = true}
    %dma_start3A_149 = arith.constant 20 : i32
    %dma_start3A_150 = arith.constant 0 : i32
    %dma_start3A_151 = tpu.memref_slice %arg5[%dma_start3A_149, %dma_start3A_150] : memref<50x512xi32, #tpu.memory_space<vmem>> -> memref<1x512xi32, #tpu.memory_space<vmem>>
    %dma_start3A_152 = tpu.memref_squeeze %dma_start3A_151 : memref<1x512xi32, #tpu.memory_space<vmem>> -> memref<512xi32, #tpu.memory_space<vmem>>
    %dma_start3A_153 = arith.constant 0 : i32
    %dma_start3A_154 = arith.constant 0 : i32
    %dma_start3A_155 = tpu.memref_slice %arg3[%dma_start3A_153, %dma_start3A_154] : memref<1000000x64xf32, #tpu.memory_space<hbm>> -> memref<1000000x64xf32, #tpu.memory_space<hbm>>
    tpu.enqueue_indirect_dma source(%dma_start3A_155 : memref<1000000x64xf32, #tpu.memory_space<hbm>>) target(%arg6 : memref<512x64xf32, #tpu.memory_space<vmem>>) offsets(%dma_start3A_152 : memref<512xi32, #tpu.memory_space<vmem>>) semaphore(%arg7 : memref<!tpu.dma_semaphore, #tpu.memory_space<semaphore_mem>>) {add = true}
    %dma_start3A_156 = arith.constant 21 : i32
    %dma_start3A_157 = arith.constant 0 : i32
    %dma_start3A_158 = tpu.memref_slice %arg5[%dma_start3A_156, %dma_start3A_157] : memref<50x512xi32, #tpu.memory_space<vmem>> -> memref<1x512xi32, #tpu.memory_space<vmem>>
    %dma_start3A_159 = tpu.memref_squeeze %dma_start3A_158 : memref<1x512xi32, #tpu.memory_space<vmem>> -> memref<512xi32, #tpu.memory_space<vmem>>
    %dma_start3A_160 = arith.constant 0 : i32
    %dma_start3A_161 = arith.constant 0 : i32
    %dma_start3A_162 = tpu.memref_slice %arg3[%dma_start3A_160, %dma_start3A_161] : memref<1000000x64xf32, #tpu.memory_space<hbm>> -> memref<1000000x64xf32, #tpu.memory_space<hbm>>
    tpu.enqueue_indirect_dma source(%dma_start3A_162 : memref<1000000x64xf32, #tpu.memory_space<hbm>>) target(%arg6 : memref<512x64xf32, #tpu.memory_space<vmem>>) offsets(%dma_start3A_159 : memref<512xi32, #tpu.memory_space<vmem>>) semaphore(%arg7 : memref<!tpu.dma_semaphore, #tpu.memory_space<semaphore_mem>>) {add = true}
    %dma_start3A_163 = arith.constant 22 : i32
    %dma_start3A_164 = arith.constant 0 : i32
    %dma_start3A_165 = tpu.memref_slice %arg5[%dma_start3A_163, %dma_start3A_164] : memref<50x512xi32, #tpu.memory_space<vmem>> -> memref<1x512xi32, #tpu.memory_space<vmem>>
    %dma_start3A_166 = tpu.memref_squeeze %dma_start3A_165 : memref<1x512xi32, #tpu.memory_space<vmem>> -> memref<512xi32, #tpu.memory_space<vmem>>
    %dma_start3A_167 = arith.constant 0 : i32
    %dma_start3A_168 = arith.constant 0 : i32
    %dma_start3A_169 = tpu.memref_slice %arg3[%dma_start3A_167, %dma_start3A_168] : memref<1000000x64xf32, #tpu.memory_space<hbm>> -> memref<1000000x64xf32, #tpu.memory_space<hbm>>
    tpu.enqueue_indirect_dma source(%dma_start3A_169 : memref<1000000x64xf32, #tpu.memory_space<hbm>>) target(%arg6 : memref<512x64xf32, #tpu.memory_space<vmem>>) offsets(%dma_start3A_166 : memref<512xi32, #tpu.memory_space<vmem>>) semaphore(%arg7 : memref<!tpu.dma_semaphore, #tpu.memory_space<semaphore_mem>>) {add = true}
    %dma_start3A_170 = arith.constant 23 : i32
    %dma_start3A_171 = arith.constant 0 : i32
    %dma_start3A_172 = tpu.memref_slice %arg5[%dma_start3A_170, %dma_start3A_171] : memref<50x512xi32, #tpu.memory_space<vmem>> -> memref<1x512xi32, #tpu.memory_space<vmem>>
    %dma_start3A_173 = tpu.memref_squeeze %dma_start3A_172 : memref<1x512xi32, #tpu.memory_space<vmem>> -> memref<512xi32, #tpu.memory_space<vmem>>
    %dma_start3A_174 = arith.constant 0 : i32
    %dma_start3A_175 = arith.constant 0 : i32
    %dma_start3A_176 = tpu.memref_slice %arg3[%dma_start3A_174, %dma_start3A_175] : memref<1000000x64xf32, #tpu.memory_space<hbm>> -> memref<1000000x64xf32, #tpu.memory_space<hbm>>
    tpu.enqueue_indirect_dma source(%dma_start3A_176 : memref<1000000x64xf32, #tpu.memory_space<hbm>>) target(%arg6 : memref<512x64xf32, #tpu.memory_space<vmem>>) offsets(%dma_start3A_173 : memref<512xi32, #tpu.memory_space<vmem>>) semaphore(%arg7 : memref<!tpu.dma_semaphore, #tpu.memory_space<semaphore_mem>>) {add = true}
    %dma_start3A_177 = arith.constant 24 : i32
    %dma_start3A_178 = arith.constant 0 : i32
    %dma_start3A_179 = tpu.memref_slice %arg5[%dma_start3A_177, %dma_start3A_178] : memref<50x512xi32, #tpu.memory_space<vmem>> -> memref<1x512xi32, #tpu.memory_space<vmem>>
    %dma_start3A_180 = tpu.memref_squeeze %dma_start3A_179 : memref<1x512xi32, #tpu.memory_space<vmem>> -> memref<512xi32, #tpu.memory_space<vmem>>
    %dma_start3A_181 = arith.constant 0 : i32
    %dma_start3A_182 = arith.constant 0 : i32
    %dma_start3A_183 = tpu.memref_slice %arg3[%dma_start3A_181, %dma_start3A_182] : memref<1000000x64xf32, #tpu.memory_space<hbm>> -> memref<1000000x64xf32, #tpu.memory_space<hbm>>
    tpu.enqueue_indirect_dma source(%dma_start3A_183 : memref<1000000x64xf32, #tpu.memory_space<hbm>>) target(%arg6 : memref<512x64xf32, #tpu.memory_space<vmem>>) offsets(%dma_start3A_180 : memref<512xi32, #tpu.memory_space<vmem>>) semaphore(%arg7 : memref<!tpu.dma_semaphore, #tpu.memory_space<semaphore_mem>>) {add = true}
    %dma_start3A_184 = arith.constant 25 : i32
    %dma_start3A_185 = arith.constant 0 : i32
    %dma_start3A_186 = tpu.memref_slice %arg5[%dma_start3A_184, %dma_start3A_185] : memref<50x512xi32, #tpu.memory_space<vmem>> -> memref<1x512xi32, #tpu.memory_space<vmem>>
    %dma_start3A_187 = tpu.memref_squeeze %dma_start3A_186 : memref<1x512xi32, #tpu.memory_space<vmem>> -> memref<512xi32, #tpu.memory_space<vmem>>
    %dma_start3A_188 = arith.constant 0 : i32
    %dma_start3A_189 = arith.constant 0 : i32
    %dma_start3A_190 = tpu.memref_slice %arg3[%dma_start3A_188, %dma_start3A_189] : memref<1000000x64xf32, #tpu.memory_space<hbm>> -> memref<1000000x64xf32, #tpu.memory_space<hbm>>
    tpu.enqueue_indirect_dma source(%dma_start3A_190 : memref<1000000x64xf32, #tpu.memory_space<hbm>>) target(%arg6 : memref<512x64xf32, #tpu.memory_space<vmem>>) offsets(%dma_start3A_187 : memref<512xi32, #tpu.memory_space<vmem>>) semaphore(%arg7 : memref<!tpu.dma_semaphore, #tpu.memory_space<semaphore_mem>>) {add = true}
    %dma_start3A_191 = arith.constant 26 : i32
    %dma_start3A_192 = arith.constant 0 : i32
    %dma_start3A_193 = tpu.memref_slice %arg5[%dma_start3A_191, %dma_start3A_192] : memref<50x512xi32, #tpu.memory_space<vmem>> -> memref<1x512xi32, #tpu.memory_space<vmem>>
    %dma_start3A_194 = tpu.memref_squeeze %dma_start3A_193 : memref<1x512xi32, #tpu.memory_space<vmem>> -> memref<512xi32, #tpu.memory_space<vmem>>
    %dma_start3A_195 = arith.constant 0 : i32
    %dma_start3A_196 = arith.constant 0 : i32
    %dma_start3A_197 = tpu.memref_slice %arg3[%dma_start3A_195, %dma_start3A_196] : memref<1000000x64xf32, #tpu.memory_space<hbm>> -> memref<1000000x64xf32, #tpu.memory_space<hbm>>
    tpu.enqueue_indirect_dma source(%dma_start3A_197 : memref<1000000x64xf32, #tpu.memory_space<hbm>>) target(%arg6 : memref<512x64xf32, #tpu.memory_space<vmem>>) offsets(%dma_start3A_194 : memref<512xi32, #tpu.memory_space<vmem>>) semaphore(%arg7 : memref<!tpu.dma_semaphore, #tpu.memory_space<semaphore_mem>>) {add = true}
    %dma_start3A_198 = arith.constant 27 : i32
    %dma_start3A_199 = arith.constant 0 : i32
    %dma_start3A_200 = tpu.memref_slice %arg5[%dma_start3A_198, %dma_start3A_199] : memref<50x512xi32, #tpu.memory_space<vmem>> -> memref<1x512xi32, #tpu.memory_space<vmem>>
    %dma_start3A_201 = tpu.memref_squeeze %dma_start3A_200 : memref<1x512xi32, #tpu.memory_space<vmem>> -> memref<512xi32, #tpu.memory_space<vmem>>
    %dma_start3A_202 = arith.constant 0 : i32
    %dma_start3A_203 = arith.constant 0 : i32
    %dma_start3A_204 = tpu.memref_slice %arg3[%dma_start3A_202, %dma_start3A_203] : memref<1000000x64xf32, #tpu.memory_space<hbm>> -> memref<1000000x64xf32, #tpu.memory_space<hbm>>
    tpu.enqueue_indirect_dma source(%dma_start3A_204 : memref<1000000x64xf32, #tpu.memory_space<hbm>>) target(%arg6 : memref<512x64xf32, #tpu.memory_space<vmem>>) offsets(%dma_start3A_201 : memref<512xi32, #tpu.memory_space<vmem>>) semaphore(%arg7 : memref<!tpu.dma_semaphore, #tpu.memory_space<semaphore_mem>>) {add = true}
    %dma_start3A_205 = arith.constant 28 : i32
    %dma_start3A_206 = arith.constant 0 : i32
    %dma_start3A_207 = tpu.memref_slice %arg5[%dma_start3A_205, %dma_start3A_206] : memref<50x512xi32, #tpu.memory_space<vmem>> -> memref<1x512xi32, #tpu.memory_space<vmem>>
    %dma_start3A_208 = tpu.memref_squeeze %dma_start3A_207 : memref<1x512xi32, #tpu.memory_space<vmem>> -> memref<512xi32, #tpu.memory_space<vmem>>
    %dma_start3A_209 = arith.constant 0 : i32
    %dma_start3A_210 = arith.constant 0 : i32
    %dma_start3A_211 = tpu.memref_slice %arg3[%dma_start3A_209, %dma_start3A_210] : memref<1000000x64xf32, #tpu.memory_space<hbm>> -> memref<1000000x64xf32, #tpu.memory_space<hbm>>
    tpu.enqueue_indirect_dma source(%dma_start3A_211 : memref<1000000x64xf32, #tpu.memory_space<hbm>>) target(%arg6 : memref<512x64xf32, #tpu.memory_space<vmem>>) offsets(%dma_start3A_208 : memref<512xi32, #tpu.memory_space<vmem>>) semaphore(%arg7 : memref<!tpu.dma_semaphore, #tpu.memory_space<semaphore_mem>>) {add = true}
    %dma_start3A_212 = arith.constant 29 : i32
    %dma_start3A_213 = arith.constant 0 : i32
    %dma_start3A_214 = tpu.memref_slice %arg5[%dma_start3A_212, %dma_start3A_213] : memref<50x512xi32, #tpu.memory_space<vmem>> -> memref<1x512xi32, #tpu.memory_space<vmem>>
    %dma_start3A_215 = tpu.memref_squeeze %dma_start3A_214 : memref<1x512xi32, #tpu.memory_space<vmem>> -> memref<512xi32, #tpu.memory_space<vmem>>
    %dma_start3A_216 = arith.constant 0 : i32
    %dma_start3A_217 = arith.constant 0 : i32
    %dma_start3A_218 = tpu.memref_slice %arg3[%dma_start3A_216, %dma_start3A_217] : memref<1000000x64xf32, #tpu.memory_space<hbm>> -> memref<1000000x64xf32, #tpu.memory_space<hbm>>
    tpu.enqueue_indirect_dma source(%dma_start3A_218 : memref<1000000x64xf32, #tpu.memory_space<hbm>>) target(%arg6 : memref<512x64xf32, #tpu.memory_space<vmem>>) offsets(%dma_start3A_215 : memref<512xi32, #tpu.memory_space<vmem>>) semaphore(%arg7 : memref<!tpu.dma_semaphore, #tpu.memory_space<semaphore_mem>>) {add = true}
    %dma_start3A_219 = arith.constant 30 : i32
    %dma_start3A_220 = arith.constant 0 : i32
    %dma_start3A_221 = tpu.memref_slice %arg5[%dma_start3A_219, %dma_start3A_220] : memref<50x512xi32, #tpu.memory_space<vmem>> -> memref<1x512xi32, #tpu.memory_space<vmem>>
    %dma_start3A_222 = tpu.memref_squeeze %dma_start3A_221 : memref<1x512xi32, #tpu.memory_space<vmem>> -> memref<512xi32, #tpu.memory_space<vmem>>
    %dma_start3A_223 = arith.constant 0 : i32
    %dma_start3A_224 = arith.constant 0 : i32
    %dma_start3A_225 = tpu.memref_slice %arg3[%dma_start3A_223, %dma_start3A_224] : memref<1000000x64xf32, #tpu.memory_space<hbm>> -> memref<1000000x64xf32, #tpu.memory_space<hbm>>
    tpu.enqueue_indirect_dma source(%dma_start3A_225 : memref<1000000x64xf32, #tpu.memory_space<hbm>>) target(%arg6 : memref<512x64xf32, #tpu.memory_space<vmem>>) offsets(%dma_start3A_222 : memref<512xi32, #tpu.memory_space<vmem>>) semaphore(%arg7 : memref<!tpu.dma_semaphore, #tpu.memory_space<semaphore_mem>>) {add = true}
    %dma_start3A_226 = arith.constant 31 : i32
    %dma_start3A_227 = arith.constant 0 : i32
    %dma_start3A_228 = tpu.memref_slice %arg5[%dma_start3A_226, %dma_start3A_227] : memref<50x512xi32, #tpu.memory_space<vmem>> -> memref<1x512xi32, #tpu.memory_space<vmem>>
    %dma_start3A_229 = tpu.memref_squeeze %dma_start3A_228 : memref<1x512xi32, #tpu.memory_space<vmem>> -> memref<512xi32, #tpu.memory_space<vmem>>
    %dma_start3A_230 = arith.constant 0 : i32
    %dma_start3A_231 = arith.constant 0 : i32
    %dma_start3A_232 = tpu.memref_slice %arg3[%dma_start3A_230, %dma_start3A_231] : memref<1000000x64xf32, #tpu.memory_space<hbm>> -> memref<1000000x64xf32, #tpu.memory_space<hbm>>
    tpu.enqueue_indirect_dma source(%dma_start3A_232 : memref<1000000x64xf32, #tpu.memory_space<hbm>>) target(%arg6 : memref<512x64xf32, #tpu.memory_space<vmem>>) offsets(%dma_start3A_229 : memref<512xi32, #tpu.memory_space<vmem>>) semaphore(%arg7 : memref<!tpu.dma_semaphore, #tpu.memory_space<semaphore_mem>>) {add = true}
    %dma_start3A_233 = arith.constant 32 : i32
    %dma_start3A_234 = arith.constant 0 : i32
    %dma_start3A_235 = tpu.memref_slice %arg5[%dma_start3A_233, %dma_start3A_234] : memref<50x512xi32, #tpu.memory_space<vmem>> -> memref<1x512xi32, #tpu.memory_space<vmem>>
    %dma_start3A_236 = tpu.memref_squeeze %dma_start3A_235 : memref<1x512xi32, #tpu.memory_space<vmem>> -> memref<512xi32, #tpu.memory_space<vmem>>
    %dma_start3A_237 = arith.constant 0 : i32
    %dma_start3A_238 = arith.constant 0 : i32
    %dma_start3A_239 = tpu.memref_slice %arg3[%dma_start3A_237, %dma_start3A_238] : memref<1000000x64xf32, #tpu.memory_space<hbm>> -> memref<1000000x64xf32, #tpu.memory_space<hbm>>
    tpu.enqueue_indirect_dma source(%dma_start3A_239 : memref<1000000x64xf32, #tpu.memory_space<hbm>>) target(%arg6 : memref<512x64xf32, #tpu.memory_space<vmem>>) offsets(%dma_start3A_236 : memref<512xi32, #tpu.memory_space<vmem>>) semaphore(%arg7 : memref<!tpu.dma_semaphore, #tpu.memory_space<semaphore_mem>>) {add = true}
    %dma_start3A_240 = arith.constant 33 : i32
    %dma_start3A_241 = arith.constant 0 : i32
    %dma_start3A_242 = tpu.memref_slice %arg5[%dma_start3A_240, %dma_start3A_241] : memref<50x512xi32, #tpu.memory_space<vmem>> -> memref<1x512xi32, #tpu.memory_space<vmem>>
    %dma_start3A_243 = tpu.memref_squeeze %dma_start3A_242 : memref<1x512xi32, #tpu.memory_space<vmem>> -> memref<512xi32, #tpu.memory_space<vmem>>
    %dma_start3A_244 = arith.constant 0 : i32
    %dma_start3A_245 = arith.constant 0 : i32
    %dma_start3A_246 = tpu.memref_slice %arg3[%dma_start3A_244, %dma_start3A_245] : memref<1000000x64xf32, #tpu.memory_space<hbm>> -> memref<1000000x64xf32, #tpu.memory_space<hbm>>
    tpu.enqueue_indirect_dma source(%dma_start3A_246 : memref<1000000x64xf32, #tpu.memory_space<hbm>>) target(%arg6 : memref<512x64xf32, #tpu.memory_space<vmem>>) offsets(%dma_start3A_243 : memref<512xi32, #tpu.memory_space<vmem>>) semaphore(%arg7 : memref<!tpu.dma_semaphore, #tpu.memory_space<semaphore_mem>>) {add = true}
    %dma_start3A_247 = arith.constant 34 : i32
    %dma_start3A_248 = arith.constant 0 : i32
    %dma_start3A_249 = tpu.memref_slice %arg5[%dma_start3A_247, %dma_start3A_248] : memref<50x512xi32, #tpu.memory_space<vmem>> -> memref<1x512xi32, #tpu.memory_space<vmem>>
    %dma_start3A_250 = tpu.memref_squeeze %dma_start3A_249 : memref<1x512xi32, #tpu.memory_space<vmem>> -> memref<512xi32, #tpu.memory_space<vmem>>
    %dma_start3A_251 = arith.constant 0 : i32
    %dma_start3A_252 = arith.constant 0 : i32
    %dma_start3A_253 = tpu.memref_slice %arg3[%dma_start3A_251, %dma_start3A_252] : memref<1000000x64xf32, #tpu.memory_space<hbm>> -> memref<1000000x64xf32, #tpu.memory_space<hbm>>
    tpu.enqueue_indirect_dma source(%dma_start3A_253 : memref<1000000x64xf32, #tpu.memory_space<hbm>>) target(%arg6 : memref<512x64xf32, #tpu.memory_space<vmem>>) offsets(%dma_start3A_250 : memref<512xi32, #tpu.memory_space<vmem>>) semaphore(%arg7 : memref<!tpu.dma_semaphore, #tpu.memory_space<semaphore_mem>>) {add = true}
    %dma_start3A_254 = arith.constant 35 : i32
    %dma_start3A_255 = arith.constant 0 : i32
    %dma_start3A_256 = tpu.memref_slice %arg5[%dma_start3A_254, %dma_start3A_255] : memref<50x512xi32, #tpu.memory_space<vmem>> -> memref<1x512xi32, #tpu.memory_space<vmem>>
    %dma_start3A_257 = tpu.memref_squeeze %dma_start3A_256 : memref<1x512xi32, #tpu.memory_space<vmem>> -> memref<512xi32, #tpu.memory_space<vmem>>
    %dma_start3A_258 = arith.constant 0 : i32
    %dma_start3A_259 = arith.constant 0 : i32
    %dma_start3A_260 = tpu.memref_slice %arg3[%dma_start3A_258, %dma_start3A_259] : memref<1000000x64xf32, #tpu.memory_space<hbm>> -> memref<1000000x64xf32, #tpu.memory_space<hbm>>
    tpu.enqueue_indirect_dma source(%dma_start3A_260 : memref<1000000x64xf32, #tpu.memory_space<hbm>>) target(%arg6 : memref<512x64xf32, #tpu.memory_space<vmem>>) offsets(%dma_start3A_257 : memref<512xi32, #tpu.memory_space<vmem>>) semaphore(%arg7 : memref<!tpu.dma_semaphore, #tpu.memory_space<semaphore_mem>>) {add = true}
    %dma_start3A_261 = arith.constant 36 : i32
    %dma_start3A_262 = arith.constant 0 : i32
    %dma_start3A_263 = tpu.memref_slice %arg5[%dma_start3A_261, %dma_start3A_262] : memref<50x512xi32, #tpu.memory_space<vmem>> -> memref<1x512xi32, #tpu.memory_space<vmem>>
    %dma_start3A_264 = tpu.memref_squeeze %dma_start3A_263 : memref<1x512xi32, #tpu.memory_space<vmem>> -> memref<512xi32, #tpu.memory_space<vmem>>
    %dma_start3A_265 = arith.constant 0 : i32
    %dma_start3A_266 = arith.constant 0 : i32
    %dma_start3A_267 = tpu.memref_slice %arg3[%dma_start3A_265, %dma_start3A_266] : memref<1000000x64xf32, #tpu.memory_space<hbm>> -> memref<1000000x64xf32, #tpu.memory_space<hbm>>
    tpu.enqueue_indirect_dma source(%dma_start3A_267 : memref<1000000x64xf32, #tpu.memory_space<hbm>>) target(%arg6 : memref<512x64xf32, #tpu.memory_space<vmem>>) offsets(%dma_start3A_264 : memref<512xi32, #tpu.memory_space<vmem>>) semaphore(%arg7 : memref<!tpu.dma_semaphore, #tpu.memory_space<semaphore_mem>>) {add = true}
    %dma_start3A_268 = arith.constant 37 : i32
    %dma_start3A_269 = arith.constant 0 : i32
    %dma_start3A_270 = tpu.memref_slice %arg5[%dma_start3A_268, %dma_start3A_269] : memref<50x512xi32, #tpu.memory_space<vmem>> -> memref<1x512xi32, #tpu.memory_space<vmem>>
    %dma_start3A_271 = tpu.memref_squeeze %dma_start3A_270 : memref<1x512xi32, #tpu.memory_space<vmem>> -> memref<512xi32, #tpu.memory_space<vmem>>
    %dma_start3A_272 = arith.constant 0 : i32
    %dma_start3A_273 = arith.constant 0 : i32
    %dma_start3A_274 = tpu.memref_slice %arg3[%dma_start3A_272, %dma_start3A_273] : memref<1000000x64xf32, #tpu.memory_space<hbm>> -> memref<1000000x64xf32, #tpu.memory_space<hbm>>
    tpu.enqueue_indirect_dma source(%dma_start3A_274 : memref<1000000x64xf32, #tpu.memory_space<hbm>>) target(%arg6 : memref<512x64xf32, #tpu.memory_space<vmem>>) offsets(%dma_start3A_271 : memref<512xi32, #tpu.memory_space<vmem>>) semaphore(%arg7 : memref<!tpu.dma_semaphore, #tpu.memory_space<semaphore_mem>>) {add = true}
    %dma_start3A_275 = arith.constant 38 : i32
    %dma_start3A_276 = arith.constant 0 : i32
    %dma_start3A_277 = tpu.memref_slice %arg5[%dma_start3A_275, %dma_start3A_276] : memref<50x512xi32, #tpu.memory_space<vmem>> -> memref<1x512xi32, #tpu.memory_space<vmem>>
    %dma_start3A_278 = tpu.memref_squeeze %dma_start3A_277 : memref<1x512xi32, #tpu.memory_space<vmem>> -> memref<512xi32, #tpu.memory_space<vmem>>
    %dma_start3A_279 = arith.constant 0 : i32
    %dma_start3A_280 = arith.constant 0 : i32
    %dma_start3A_281 = tpu.memref_slice %arg3[%dma_start3A_279, %dma_start3A_280] : memref<1000000x64xf32, #tpu.memory_space<hbm>> -> memref<1000000x64xf32, #tpu.memory_space<hbm>>
    tpu.enqueue_indirect_dma source(%dma_start3A_281 : memref<1000000x64xf32, #tpu.memory_space<hbm>>) target(%arg6 : memref<512x64xf32, #tpu.memory_space<vmem>>) offsets(%dma_start3A_278 : memref<512xi32, #tpu.memory_space<vmem>>) semaphore(%arg7 : memref<!tpu.dma_semaphore, #tpu.memory_space<semaphore_mem>>) {add = true}
    %dma_start3A_282 = arith.constant 39 : i32
    %dma_start3A_283 = arith.constant 0 : i32
    %dma_start3A_284 = tpu.memref_slice %arg5[%dma_start3A_282, %dma_start3A_283] : memref<50x512xi32, #tpu.memory_space<vmem>> -> memref<1x512xi32, #tpu.memory_space<vmem>>
    %dma_start3A_285 = tpu.memref_squeeze %dma_start3A_284 : memref<1x512xi32, #tpu.memory_space<vmem>> -> memref<512xi32, #tpu.memory_space<vmem>>
    %dma_start3A_286 = arith.constant 0 : i32
    %dma_start3A_287 = arith.constant 0 : i32
    %dma_start3A_288 = tpu.memref_slice %arg3[%dma_start3A_286, %dma_start3A_287] : memref<1000000x64xf32, #tpu.memory_space<hbm>> -> memref<1000000x64xf32, #tpu.memory_space<hbm>>
    tpu.enqueue_indirect_dma source(%dma_start3A_288 : memref<1000000x64xf32, #tpu.memory_space<hbm>>) target(%arg6 : memref<512x64xf32, #tpu.memory_space<vmem>>) offsets(%dma_start3A_285 : memref<512xi32, #tpu.memory_space<vmem>>) semaphore(%arg7 : memref<!tpu.dma_semaphore, #tpu.memory_space<semaphore_mem>>) {add = true}
    %dma_start3A_289 = arith.constant 40 : i32
    %dma_start3A_290 = arith.constant 0 : i32
    %dma_start3A_291 = tpu.memref_slice %arg5[%dma_start3A_289, %dma_start3A_290] : memref<50x512xi32, #tpu.memory_space<vmem>> -> memref<1x512xi32, #tpu.memory_space<vmem>>
    %dma_start3A_292 = tpu.memref_squeeze %dma_start3A_291 : memref<1x512xi32, #tpu.memory_space<vmem>> -> memref<512xi32, #tpu.memory_space<vmem>>
    %dma_start3A_293 = arith.constant 0 : i32
    %dma_start3A_294 = arith.constant 0 : i32
    %dma_start3A_295 = tpu.memref_slice %arg3[%dma_start3A_293, %dma_start3A_294] : memref<1000000x64xf32, #tpu.memory_space<hbm>> -> memref<1000000x64xf32, #tpu.memory_space<hbm>>
    tpu.enqueue_indirect_dma source(%dma_start3A_295 : memref<1000000x64xf32, #tpu.memory_space<hbm>>) target(%arg6 : memref<512x64xf32, #tpu.memory_space<vmem>>) offsets(%dma_start3A_292 : memref<512xi32, #tpu.memory_space<vmem>>) semaphore(%arg7 : memref<!tpu.dma_semaphore, #tpu.memory_space<semaphore_mem>>) {add = true}
    %dma_start3A_296 = arith.constant 41 : i32
    %dma_start3A_297 = arith.constant 0 : i32
    %dma_start3A_298 = tpu.memref_slice %arg5[%dma_start3A_296, %dma_start3A_297] : memref<50x512xi32, #tpu.memory_space<vmem>> -> memref<1x512xi32, #tpu.memory_space<vmem>>
    %dma_start3A_299 = tpu.memref_squeeze %dma_start3A_298 : memref<1x512xi32, #tpu.memory_space<vmem>> -> memref<512xi32, #tpu.memory_space<vmem>>
    %dma_start3A_300 = arith.constant 0 : i32
    %dma_start3A_301 = arith.constant 0 : i32
    %dma_start3A_302 = tpu.memref_slice %arg3[%dma_start3A_300, %dma_start3A_301] : memref<1000000x64xf32, #tpu.memory_space<hbm>> -> memref<1000000x64xf32, #tpu.memory_space<hbm>>
    tpu.enqueue_indirect_dma source(%dma_start3A_302 : memref<1000000x64xf32, #tpu.memory_space<hbm>>) target(%arg6 : memref<512x64xf32, #tpu.memory_space<vmem>>) offsets(%dma_start3A_299 : memref<512xi32, #tpu.memory_space<vmem>>) semaphore(%arg7 : memref<!tpu.dma_semaphore, #tpu.memory_space<semaphore_mem>>) {add = true}
    %dma_start3A_303 = arith.constant 42 : i32
    %dma_start3A_304 = arith.constant 0 : i32
    %dma_start3A_305 = tpu.memref_slice %arg5[%dma_start3A_303, %dma_start3A_304] : memref<50x512xi32, #tpu.memory_space<vmem>> -> memref<1x512xi32, #tpu.memory_space<vmem>>
    %dma_start3A_306 = tpu.memref_squeeze %dma_start3A_305 : memref<1x512xi32, #tpu.memory_space<vmem>> -> memref<512xi32, #tpu.memory_space<vmem>>
    %dma_start3A_307 = arith.constant 0 : i32
    %dma_start3A_308 = arith.constant 0 : i32
    %dma_start3A_309 = tpu.memref_slice %arg3[%dma_start3A_307, %dma_start3A_308] : memref<1000000x64xf32, #tpu.memory_space<hbm>> -> memref<1000000x64xf32, #tpu.memory_space<hbm>>
    tpu.enqueue_indirect_dma source(%dma_start3A_309 : memref<1000000x64xf32, #tpu.memory_space<hbm>>) target(%arg6 : memref<512x64xf32, #tpu.memory_space<vmem>>) offsets(%dma_start3A_306 : memref<512xi32, #tpu.memory_space<vmem>>) semaphore(%arg7 : memref<!tpu.dma_semaphore, #tpu.memory_space<semaphore_mem>>) {add = true}
    %dma_start3A_310 = arith.constant 43 : i32
    %dma_start3A_311 = arith.constant 0 : i32
    %dma_start3A_312 = tpu.memref_slice %arg5[%dma_start3A_310, %dma_start3A_311] : memref<50x512xi32, #tpu.memory_space<vmem>> -> memref<1x512xi32, #tpu.memory_space<vmem>>
    %dma_start3A_313 = tpu.memref_squeeze %dma_start3A_312 : memref<1x512xi32, #tpu.memory_space<vmem>> -> memref<512xi32, #tpu.memory_space<vmem>>
    %dma_start3A_314 = arith.constant 0 : i32
    %dma_start3A_315 = arith.constant 0 : i32
    %dma_start3A_316 = tpu.memref_slice %arg3[%dma_start3A_314, %dma_start3A_315] : memref<1000000x64xf32, #tpu.memory_space<hbm>> -> memref<1000000x64xf32, #tpu.memory_space<hbm>>
    tpu.enqueue_indirect_dma source(%dma_start3A_316 : memref<1000000x64xf32, #tpu.memory_space<hbm>>) target(%arg6 : memref<512x64xf32, #tpu.memory_space<vmem>>) offsets(%dma_start3A_313 : memref<512xi32, #tpu.memory_space<vmem>>) semaphore(%arg7 : memref<!tpu.dma_semaphore, #tpu.memory_space<semaphore_mem>>) {add = true}
    %dma_start3A_317 = arith.constant 44 : i32
    %dma_start3A_318 = arith.constant 0 : i32
    %dma_start3A_319 = tpu.memref_slice %arg5[%dma_start3A_317, %dma_start3A_318] : memref<50x512xi32, #tpu.memory_space<vmem>> -> memref<1x512xi32, #tpu.memory_space<vmem>>
    %dma_start3A_320 = tpu.memref_squeeze %dma_start3A_319 : memref<1x512xi32, #tpu.memory_space<vmem>> -> memref<512xi32, #tpu.memory_space<vmem>>
    %dma_start3A_321 = arith.constant 0 : i32
    %dma_start3A_322 = arith.constant 0 : i32
    %dma_start3A_323 = tpu.memref_slice %arg3[%dma_start3A_321, %dma_start3A_322] : memref<1000000x64xf32, #tpu.memory_space<hbm>> -> memref<1000000x64xf32, #tpu.memory_space<hbm>>
    tpu.enqueue_indirect_dma source(%dma_start3A_323 : memref<1000000x64xf32, #tpu.memory_space<hbm>>) target(%arg6 : memref<512x64xf32, #tpu.memory_space<vmem>>) offsets(%dma_start3A_320 : memref<512xi32, #tpu.memory_space<vmem>>) semaphore(%arg7 : memref<!tpu.dma_semaphore, #tpu.memory_space<semaphore_mem>>) {add = true}
    %dma_start3A_324 = arith.constant 45 : i32
    %dma_start3A_325 = arith.constant 0 : i32
    %dma_start3A_326 = tpu.memref_slice %arg5[%dma_start3A_324, %dma_start3A_325] : memref<50x512xi32, #tpu.memory_space<vmem>> -> memref<1x512xi32, #tpu.memory_space<vmem>>
    %dma_start3A_327 = tpu.memref_squeeze %dma_start3A_326 : memref<1x512xi32, #tpu.memory_space<vmem>> -> memref<512xi32, #tpu.memory_space<vmem>>
    %dma_start3A_328 = arith.constant 0 : i32
    %dma_start3A_329 = arith.constant 0 : i32
    %dma_start3A_330 = tpu.memref_slice %arg3[%dma_start3A_328, %dma_start3A_329] : memref<1000000x64xf32, #tpu.memory_space<hbm>> -> memref<1000000x64xf32, #tpu.memory_space<hbm>>
    tpu.enqueue_indirect_dma source(%dma_start3A_330 : memref<1000000x64xf32, #tpu.memory_space<hbm>>) target(%arg6 : memref<512x64xf32, #tpu.memory_space<vmem>>) offsets(%dma_start3A_327 : memref<512xi32, #tpu.memory_space<vmem>>) semaphore(%arg7 : memref<!tpu.dma_semaphore, #tpu.memory_space<semaphore_mem>>) {add = true}
    %dma_start3A_331 = arith.constant 46 : i32
    %dma_start3A_332 = arith.constant 0 : i32
    %dma_start3A_333 = tpu.memref_slice %arg5[%dma_start3A_331, %dma_start3A_332] : memref<50x512xi32, #tpu.memory_space<vmem>> -> memref<1x512xi32, #tpu.memory_space<vmem>>
    %dma_start3A_334 = tpu.memref_squeeze %dma_start3A_333 : memref<1x512xi32, #tpu.memory_space<vmem>> -> memref<512xi32, #tpu.memory_space<vmem>>
    %dma_start3A_335 = arith.constant 0 : i32
    %dma_start3A_336 = arith.constant 0 : i32
    %dma_start3A_337 = tpu.memref_slice %arg3[%dma_start3A_335, %dma_start3A_336] : memref<1000000x64xf32, #tpu.memory_space<hbm>> -> memref<1000000x64xf32, #tpu.memory_space<hbm>>
    tpu.enqueue_indirect_dma source(%dma_start3A_337 : memref<1000000x64xf32, #tpu.memory_space<hbm>>) target(%arg6 : memref<512x64xf32, #tpu.memory_space<vmem>>) offsets(%dma_start3A_334 : memref<512xi32, #tpu.memory_space<vmem>>) semaphore(%arg7 : memref<!tpu.dma_semaphore, #tpu.memory_space<semaphore_mem>>) {add = true}
    %dma_start3A_338 = arith.constant 47 : i32
    %dma_start3A_339 = arith.constant 0 : i32
    %dma_start3A_340 = tpu.memref_slice %arg5[%dma_start3A_338, %dma_start3A_339] : memref<50x512xi32, #tpu.memory_space<vmem>> -> memref<1x512xi32, #tpu.memory_space<vmem>>
    %dma_start3A_341 = tpu.memref_squeeze %dma_start3A_340 : memref<1x512xi32, #tpu.memory_space<vmem>> -> memref<512xi32, #tpu.memory_space<vmem>>
    %dma_start3A_342 = arith.constant 0 : i32
    %dma_start3A_343 = arith.constant 0 : i32
    %dma_start3A_344 = tpu.memref_slice %arg3[%dma_start3A_342, %dma_start3A_343] : memref<1000000x64xf32, #tpu.memory_space<hbm>> -> memref<1000000x64xf32, #tpu.memory_space<hbm>>
    tpu.enqueue_indirect_dma source(%dma_start3A_344 : memref<1000000x64xf32, #tpu.memory_space<hbm>>) target(%arg6 : memref<512x64xf32, #tpu.memory_space<vmem>>) offsets(%dma_start3A_341 : memref<512xi32, #tpu.memory_space<vmem>>) semaphore(%arg7 : memref<!tpu.dma_semaphore, #tpu.memory_space<semaphore_mem>>) {add = true}
    %dma_start3A_345 = arith.constant 48 : i32
    %dma_start3A_346 = arith.constant 0 : i32
    %dma_start3A_347 = tpu.memref_slice %arg5[%dma_start3A_345, %dma_start3A_346] : memref<50x512xi32, #tpu.memory_space<vmem>> -> memref<1x512xi32, #tpu.memory_space<vmem>>
    %dma_start3A_348 = tpu.memref_squeeze %dma_start3A_347 : memref<1x512xi32, #tpu.memory_space<vmem>> -> memref<512xi32, #tpu.memory_space<vmem>>
    %dma_start3A_349 = arith.constant 0 : i32
    %dma_start3A_350 = arith.constant 0 : i32
    %dma_start3A_351 = tpu.memref_slice %arg3[%dma_start3A_349, %dma_start3A_350] : memref<1000000x64xf32, #tpu.memory_space<hbm>> -> memref<1000000x64xf32, #tpu.memory_space<hbm>>
    tpu.enqueue_indirect_dma source(%dma_start3A_351 : memref<1000000x64xf32, #tpu.memory_space<hbm>>) target(%arg6 : memref<512x64xf32, #tpu.memory_space<vmem>>) offsets(%dma_start3A_348 : memref<512xi32, #tpu.memory_space<vmem>>) semaphore(%arg7 : memref<!tpu.dma_semaphore, #tpu.memory_space<semaphore_mem>>) {add = true}
    %dma_start3A_352 = arith.constant 49 : i32
    %dma_start3A_353 = arith.constant 0 : i32
    %dma_start3A_354 = tpu.memref_slice %arg5[%dma_start3A_352, %dma_start3A_353] : memref<50x512xi32, #tpu.memory_space<vmem>> -> memref<1x512xi32, #tpu.memory_space<vmem>>
    %dma_start3A_355 = tpu.memref_squeeze %dma_start3A_354 : memref<1x512xi32, #tpu.memory_space<vmem>> -> memref<512xi32, #tpu.memory_space<vmem>>
    %dma_start3A_356 = arith.constant 0 : i32
    %dma_start3A_357 = arith.constant 0 : i32
    %dma_start3A_358 = tpu.memref_slice %arg3[%dma_start3A_356, %dma_start3A_357] : memref<1000000x64xf32, #tpu.memory_space<hbm>> -> memref<1000000x64xf32, #tpu.memory_space<hbm>>
    tpu.enqueue_indirect_dma source(%dma_start3A_358 : memref<1000000x64xf32, #tpu.memory_space<hbm>>) target(%arg6 : memref<512x64xf32, #tpu.memory_space<vmem>>) offsets(%dma_start3A_355 : memref<512xi32, #tpu.memory_space<vmem>>) semaphore(%arg7 : memref<!tpu.dma_semaphore, #tpu.memory_space<semaphore_mem>>) {add = true}
    %dma_wait3A = arith.constant 0 : i32
    %dma_wait3A_359 = arith.constant 0 : i32
    %dma_wait3A_360 = tpu.memref_slice %arg5[%dma_wait3A, %dma_wait3A_359] : memref<50x512xi32, #tpu.memory_space<vmem>> -> memref<1x512xi32, #tpu.memory_space<vmem>>
    %dma_wait3A_361 = tpu.memref_squeeze %dma_wait3A_360 : memref<1x512xi32, #tpu.memory_space<vmem>> -> memref<512xi32, #tpu.memory_space<vmem>>
    %dma_wait3A_362 = arith.constant 0 : i32
    %dma_wait3A_363 = arith.constant 0 : i32
    %dma_wait3A_364 = tpu.memref_slice %arg3[%dma_wait3A_362, %dma_wait3A_363] : memref<1000000x64xf32, #tpu.memory_space<hbm>> -> memref<1000000x64xf32, #tpu.memory_space<hbm>>
    tpu.wait_indirect_dma semaphore(%arg7 : memref<!tpu.dma_semaphore, #tpu.memory_space<semaphore_mem>>) src(%dma_wait3A_364 : memref<1000000x64xf32, #tpu.memory_space<hbm>>) dst(%arg6 : memref<512x64xf32, #tpu.memory_space<vmem>>)
    %dma_wait3A_365 = arith.constant 1 : i32
    %dma_wait3A_366 = arith.constant 0 : i32
    %dma_wait3A_367 = tpu.memref_slice %arg5[%dma_wait3A_365, %dma_wait3A_366] : memref<50x512xi32, #tpu.memory_space<vmem>> -> memref<1x512xi32, #tpu.memory_space<vmem>>
    %dma_wait3A_368 = tpu.memref_squeeze %dma_wait3A_367 : memref<1x512xi32, #tpu.memory_space<vmem>> -> memref<512xi32, #tpu.memory_space<vmem>>
    %dma_wait3A_369 = arith.constant 0 : i32
    %dma_wait3A_370 = arith.constant 0 : i32
    %dma_wait3A_371 = tpu.memref_slice %arg3[%dma_wait3A_369, %dma_wait3A_370] : memref<1000000x64xf32, #tpu.memory_space<hbm>> -> memref<1000000x64xf32, #tpu.memory_space<hbm>>
    tpu.wait_indirect_dma semaphore(%arg7 : memref<!tpu.dma_semaphore, #tpu.memory_space<semaphore_mem>>) src(%dma_wait3A_371 : memref<1000000x64xf32, #tpu.memory_space<hbm>>) dst(%arg6 : memref<512x64xf32, #tpu.memory_space<vmem>>)
    %dma_wait3A_372 = arith.constant 2 : i32
    %dma_wait3A_373 = arith.constant 0 : i32
    %dma_wait3A_374 = tpu.memref_slice %arg5[%dma_wait3A_372, %dma_wait3A_373] : memref<50x512xi32, #tpu.memory_space<vmem>> -> memref<1x512xi32, #tpu.memory_space<vmem>>
    %dma_wait3A_375 = tpu.memref_squeeze %dma_wait3A_374 : memref<1x512xi32, #tpu.memory_space<vmem>> -> memref<512xi32, #tpu.memory_space<vmem>>
    %dma_wait3A_376 = arith.constant 0 : i32
    %dma_wait3A_377 = arith.constant 0 : i32
    %dma_wait3A_378 = tpu.memref_slice %arg3[%dma_wait3A_376, %dma_wait3A_377] : memref<1000000x64xf32, #tpu.memory_space<hbm>> -> memref<1000000x64xf32, #tpu.memory_space<hbm>>
    tpu.wait_indirect_dma semaphore(%arg7 : memref<!tpu.dma_semaphore, #tpu.memory_space<semaphore_mem>>) src(%dma_wait3A_378 : memref<1000000x64xf32, #tpu.memory_space<hbm>>) dst(%arg6 : memref<512x64xf32, #tpu.memory_space<vmem>>)
    %dma_wait3A_379 = arith.constant 3 : i32
    %dma_wait3A_380 = arith.constant 0 : i32
    %dma_wait3A_381 = tpu.memref_slice %arg5[%dma_wait3A_379, %dma_wait3A_380] : memref<50x512xi32, #tpu.memory_space<vmem>> -> memref<1x512xi32, #tpu.memory_space<vmem>>
    %dma_wait3A_382 = tpu.memref_squeeze %dma_wait3A_381 : memref<1x512xi32, #tpu.memory_space<vmem>> -> memref<512xi32, #tpu.memory_space<vmem>>
    %dma_wait3A_383 = arith.constant 0 : i32
    %dma_wait3A_384 = arith.constant 0 : i32
    %dma_wait3A_385 = tpu.memref_slice %arg3[%dma_wait3A_383, %dma_wait3A_384] : memref<1000000x64xf32, #tpu.memory_space<hbm>> -> memref<1000000x64xf32, #tpu.memory_space<hbm>>
    tpu.wait_indirect_dma semaphore(%arg7 : memref<!tpu.dma_semaphore, #tpu.memory_space<semaphore_mem>>) src(%dma_wait3A_385 : memref<1000000x64xf32, #tpu.memory_space<hbm>>) dst(%arg6 : memref<512x64xf32, #tpu.memory_space<vmem>>)
    %dma_wait3A_386 = arith.constant 4 : i32
    %dma_wait3A_387 = arith.constant 0 : i32
    %dma_wait3A_388 = tpu.memref_slice %arg5[%dma_wait3A_386, %dma_wait3A_387] : memref<50x512xi32, #tpu.memory_space<vmem>> -> memref<1x512xi32, #tpu.memory_space<vmem>>
    %dma_wait3A_389 = tpu.memref_squeeze %dma_wait3A_388 : memref<1x512xi32, #tpu.memory_space<vmem>> -> memref<512xi32, #tpu.memory_space<vmem>>
    %dma_wait3A_390 = arith.constant 0 : i32
    %dma_wait3A_391 = arith.constant 0 : i32
    %dma_wait3A_392 = tpu.memref_slice %arg3[%dma_wait3A_390, %dma_wait3A_391] : memref<1000000x64xf32, #tpu.memory_space<hbm>> -> memref<1000000x64xf32, #tpu.memory_space<hbm>>
    tpu.wait_indirect_dma semaphore(%arg7 : memref<!tpu.dma_semaphore, #tpu.memory_space<semaphore_mem>>) src(%dma_wait3A_392 : memref<1000000x64xf32, #tpu.memory_space<hbm>>) dst(%arg6 : memref<512x64xf32, #tpu.memory_space<vmem>>)
    %dma_wait3A_393 = arith.constant 5 : i32
    %dma_wait3A_394 = arith.constant 0 : i32
    %dma_wait3A_395 = tpu.memref_slice %arg5[%dma_wait3A_393, %dma_wait3A_394] : memref<50x512xi32, #tpu.memory_space<vmem>> -> memref<1x512xi32, #tpu.memory_space<vmem>>
    %dma_wait3A_396 = tpu.memref_squeeze %dma_wait3A_395 : memref<1x512xi32, #tpu.memory_space<vmem>> -> memref<512xi32, #tpu.memory_space<vmem>>
    %dma_wait3A_397 = arith.constant 0 : i32
    %dma_wait3A_398 = arith.constant 0 : i32
    %dma_wait3A_399 = tpu.memref_slice %arg3[%dma_wait3A_397, %dma_wait3A_398] : memref<1000000x64xf32, #tpu.memory_space<hbm>> -> memref<1000000x64xf32, #tpu.memory_space<hbm>>
    tpu.wait_indirect_dma semaphore(%arg7 : memref<!tpu.dma_semaphore, #tpu.memory_space<semaphore_mem>>) src(%dma_wait3A_399 : memref<1000000x64xf32, #tpu.memory_space<hbm>>) dst(%arg6 : memref<512x64xf32, #tpu.memory_space<vmem>>)
    %dma_wait3A_400 = arith.constant 6 : i32
    %dma_wait3A_401 = arith.constant 0 : i32
    %dma_wait3A_402 = tpu.memref_slice %arg5[%dma_wait3A_400, %dma_wait3A_401] : memref<50x512xi32, #tpu.memory_space<vmem>> -> memref<1x512xi32, #tpu.memory_space<vmem>>
    %dma_wait3A_403 = tpu.memref_squeeze %dma_wait3A_402 : memref<1x512xi32, #tpu.memory_space<vmem>> -> memref<512xi32, #tpu.memory_space<vmem>>
    %dma_wait3A_404 = arith.constant 0 : i32
    %dma_wait3A_405 = arith.constant 0 : i32
    %dma_wait3A_406 = tpu.memref_slice %arg3[%dma_wait3A_404, %dma_wait3A_405] : memref<1000000x64xf32, #tpu.memory_space<hbm>> -> memref<1000000x64xf32, #tpu.memory_space<hbm>>
    tpu.wait_indirect_dma semaphore(%arg7 : memref<!tpu.dma_semaphore, #tpu.memory_space<semaphore_mem>>) src(%dma_wait3A_406 : memref<1000000x64xf32, #tpu.memory_space<hbm>>) dst(%arg6 : memref<512x64xf32, #tpu.memory_space<vmem>>)
    %dma_wait3A_407 = arith.constant 7 : i32
    %dma_wait3A_408 = arith.constant 0 : i32
    %dma_wait3A_409 = tpu.memref_slice %arg5[%dma_wait3A_407, %dma_wait3A_408] : memref<50x512xi32, #tpu.memory_space<vmem>> -> memref<1x512xi32, #tpu.memory_space<vmem>>
    %dma_wait3A_410 = tpu.memref_squeeze %dma_wait3A_409 : memref<1x512xi32, #tpu.memory_space<vmem>> -> memref<512xi32, #tpu.memory_space<vmem>>
    %dma_wait3A_411 = arith.constant 0 : i32
    %dma_wait3A_412 = arith.constant 0 : i32
    %dma_wait3A_413 = tpu.memref_slice %arg3[%dma_wait3A_411, %dma_wait3A_412] : memref<1000000x64xf32, #tpu.memory_space<hbm>> -> memref<1000000x64xf32, #tpu.memory_space<hbm>>
    tpu.wait_indirect_dma semaphore(%arg7 : memref<!tpu.dma_semaphore, #tpu.memory_space<semaphore_mem>>) src(%dma_wait3A_413 : memref<1000000x64xf32, #tpu.memory_space<hbm>>) dst(%arg6 : memref<512x64xf32, #tpu.memory_space<vmem>>)
    %dma_wait3A_414 = arith.constant 8 : i32
    %dma_wait3A_415 = arith.constant 0 : i32
    %dma_wait3A_416 = tpu.memref_slice %arg5[%dma_wait3A_414, %dma_wait3A_415] : memref<50x512xi32, #tpu.memory_space<vmem>> -> memref<1x512xi32, #tpu.memory_space<vmem>>
    %dma_wait3A_417 = tpu.memref_squeeze %dma_wait3A_416 : memref<1x512xi32, #tpu.memory_space<vmem>> -> memref<512xi32, #tpu.memory_space<vmem>>
    %dma_wait3A_418 = arith.constant 0 : i32
    %dma_wait3A_419 = arith.constant 0 : i32
    %dma_wait3A_420 = tpu.memref_slice %arg3[%dma_wait3A_418, %dma_wait3A_419] : memref<1000000x64xf32, #tpu.memory_space<hbm>> -> memref<1000000x64xf32, #tpu.memory_space<hbm>>
    tpu.wait_indirect_dma semaphore(%arg7 : memref<!tpu.dma_semaphore, #tpu.memory_space<semaphore_mem>>) src(%dma_wait3A_420 : memref<1000000x64xf32, #tpu.memory_space<hbm>>) dst(%arg6 : memref<512x64xf32, #tpu.memory_space<vmem>>)
    %dma_wait3A_421 = arith.constant 9 : i32
    %dma_wait3A_422 = arith.constant 0 : i32
    %dma_wait3A_423 = tpu.memref_slice %arg5[%dma_wait3A_421, %dma_wait3A_422] : memref<50x512xi32, #tpu.memory_space<vmem>> -> memref<1x512xi32, #tpu.memory_space<vmem>>
    %dma_wait3A_424 = tpu.memref_squeeze %dma_wait3A_423 : memref<1x512xi32, #tpu.memory_space<vmem>> -> memref<512xi32, #tpu.memory_space<vmem>>
    %dma_wait3A_425 = arith.constant 0 : i32
    %dma_wait3A_426 = arith.constant 0 : i32
    %dma_wait3A_427 = tpu.memref_slice %arg3[%dma_wait3A_425, %dma_wait3A_426] : memref<1000000x64xf32, #tpu.memory_space<hbm>> -> memref<1000000x64xf32, #tpu.memory_space<hbm>>
    tpu.wait_indirect_dma semaphore(%arg7 : memref<!tpu.dma_semaphore, #tpu.memory_space<semaphore_mem>>) src(%dma_wait3A_427 : memref<1000000x64xf32, #tpu.memory_space<hbm>>) dst(%arg6 : memref<512x64xf32, #tpu.memory_space<vmem>>)
    %dma_wait3A_428 = arith.constant 10 : i32
    %dma_wait3A_429 = arith.constant 0 : i32
    %dma_wait3A_430 = tpu.memref_slice %arg5[%dma_wait3A_428, %dma_wait3A_429] : memref<50x512xi32, #tpu.memory_space<vmem>> -> memref<1x512xi32, #tpu.memory_space<vmem>>
    %dma_wait3A_431 = tpu.memref_squeeze %dma_wait3A_430 : memref<1x512xi32, #tpu.memory_space<vmem>> -> memref<512xi32, #tpu.memory_space<vmem>>
    %dma_wait3A_432 = arith.constant 0 : i32
    %dma_wait3A_433 = arith.constant 0 : i32
    %dma_wait3A_434 = tpu.memref_slice %arg3[%dma_wait3A_432, %dma_wait3A_433] : memref<1000000x64xf32, #tpu.memory_space<hbm>> -> memref<1000000x64xf32, #tpu.memory_space<hbm>>
    tpu.wait_indirect_dma semaphore(%arg7 : memref<!tpu.dma_semaphore, #tpu.memory_space<semaphore_mem>>) src(%dma_wait3A_434 : memref<1000000x64xf32, #tpu.memory_space<hbm>>) dst(%arg6 : memref<512x64xf32, #tpu.memory_space<vmem>>)
    %dma_wait3A_435 = arith.constant 11 : i32
    %dma_wait3A_436 = arith.constant 0 : i32
    %dma_wait3A_437 = tpu.memref_slice %arg5[%dma_wait3A_435, %dma_wait3A_436] : memref<50x512xi32, #tpu.memory_space<vmem>> -> memref<1x512xi32, #tpu.memory_space<vmem>>
    %dma_wait3A_438 = tpu.memref_squeeze %dma_wait3A_437 : memref<1x512xi32, #tpu.memory_space<vmem>> -> memref<512xi32, #tpu.memory_space<vmem>>
    %dma_wait3A_439 = arith.constant 0 : i32
    %dma_wait3A_440 = arith.constant 0 : i32
    %dma_wait3A_441 = tpu.memref_slice %arg3[%dma_wait3A_439, %dma_wait3A_440] : memref<1000000x64xf32, #tpu.memory_space<hbm>> -> memref<1000000x64xf32, #tpu.memory_space<hbm>>
    tpu.wait_indirect_dma semaphore(%arg7 : memref<!tpu.dma_semaphore, #tpu.memory_space<semaphore_mem>>) src(%dma_wait3A_441 : memref<1000000x64xf32, #tpu.memory_space<hbm>>) dst(%arg6 : memref<512x64xf32, #tpu.memory_space<vmem>>)
    %dma_wait3A_442 = arith.constant 12 : i32
    %dma_wait3A_443 = arith.constant 0 : i32
    %dma_wait3A_444 = tpu.memref_slice %arg5[%dma_wait3A_442, %dma_wait3A_443] : memref<50x512xi32, #tpu.memory_space<vmem>> -> memref<1x512xi32, #tpu.memory_space<vmem>>
    %dma_wait3A_445 = tpu.memref_squeeze %dma_wait3A_444 : memref<1x512xi32, #tpu.memory_space<vmem>> -> memref<512xi32, #tpu.memory_space<vmem>>
    %dma_wait3A_446 = arith.constant 0 : i32
    %dma_wait3A_447 = arith.constant 0 : i32
    %dma_wait3A_448 = tpu.memref_slice %arg3[%dma_wait3A_446, %dma_wait3A_447] : memref<1000000x64xf32, #tpu.memory_space<hbm>> -> memref<1000000x64xf32, #tpu.memory_space<hbm>>
    tpu.wait_indirect_dma semaphore(%arg7 : memref<!tpu.dma_semaphore, #tpu.memory_space<semaphore_mem>>) src(%dma_wait3A_448 : memref<1000000x64xf32, #tpu.memory_space<hbm>>) dst(%arg6 : memref<512x64xf32, #tpu.memory_space<vmem>>)
    %dma_wait3A_449 = arith.constant 13 : i32
    %dma_wait3A_450 = arith.constant 0 : i32
    %dma_wait3A_451 = tpu.memref_slice %arg5[%dma_wait3A_449, %dma_wait3A_450] : memref<50x512xi32, #tpu.memory_space<vmem>> -> memref<1x512xi32, #tpu.memory_space<vmem>>
    %dma_wait3A_452 = tpu.memref_squeeze %dma_wait3A_451 : memref<1x512xi32, #tpu.memory_space<vmem>> -> memref<512xi32, #tpu.memory_space<vmem>>
    %dma_wait3A_453 = arith.constant 0 : i32
    %dma_wait3A_454 = arith.constant 0 : i32
    %dma_wait3A_455 = tpu.memref_slice %arg3[%dma_wait3A_453, %dma_wait3A_454] : memref<1000000x64xf32, #tpu.memory_space<hbm>> -> memref<1000000x64xf32, #tpu.memory_space<hbm>>
    tpu.wait_indirect_dma semaphore(%arg7 : memref<!tpu.dma_semaphore, #tpu.memory_space<semaphore_mem>>) src(%dma_wait3A_455 : memref<1000000x64xf32, #tpu.memory_space<hbm>>) dst(%arg6 : memref<512x64xf32, #tpu.memory_space<vmem>>)
    %dma_wait3A_456 = arith.constant 14 : i32
    %dma_wait3A_457 = arith.constant 0 : i32
    %dma_wait3A_458 = tpu.memref_slice %arg5[%dma_wait3A_456, %dma_wait3A_457] : memref<50x512xi32, #tpu.memory_space<vmem>> -> memref<1x512xi32, #tpu.memory_space<vmem>>
    %dma_wait3A_459 = tpu.memref_squeeze %dma_wait3A_458 : memref<1x512xi32, #tpu.memory_space<vmem>> -> memref<512xi32, #tpu.memory_space<vmem>>
    %dma_wait3A_460 = arith.constant 0 : i32
    %dma_wait3A_461 = arith.constant 0 : i32
    %dma_wait3A_462 = tpu.memref_slice %arg3[%dma_wait3A_460, %dma_wait3A_461] : memref<1000000x64xf32, #tpu.memory_space<hbm>> -> memref<1000000x64xf32, #tpu.memory_space<hbm>>
    tpu.wait_indirect_dma semaphore(%arg7 : memref<!tpu.dma_semaphore, #tpu.memory_space<semaphore_mem>>) src(%dma_wait3A_462 : memref<1000000x64xf32, #tpu.memory_space<hbm>>) dst(%arg6 : memref<512x64xf32, #tpu.memory_space<vmem>>)
    %dma_wait3A_463 = arith.constant 15 : i32
    %dma_wait3A_464 = arith.constant 0 : i32
    %dma_wait3A_465 = tpu.memref_slice %arg5[%dma_wait3A_463, %dma_wait3A_464] : memref<50x512xi32, #tpu.memory_space<vmem>> -> memref<1x512xi32, #tpu.memory_space<vmem>>
    %dma_wait3A_466 = tpu.memref_squeeze %dma_wait3A_465 : memref<1x512xi32, #tpu.memory_space<vmem>> -> memref<512xi32, #tpu.memory_space<vmem>>
    %dma_wait3A_467 = arith.constant 0 : i32
    %dma_wait3A_468 = arith.constant 0 : i32
    %dma_wait3A_469 = tpu.memref_slice %arg3[%dma_wait3A_467, %dma_wait3A_468] : memref<1000000x64xf32, #tpu.memory_space<hbm>> -> memref<1000000x64xf32, #tpu.memory_space<hbm>>
    tpu.wait_indirect_dma semaphore(%arg7 : memref<!tpu.dma_semaphore, #tpu.memory_space<semaphore_mem>>) src(%dma_wait3A_469 : memref<1000000x64xf32, #tpu.memory_space<hbm>>) dst(%arg6 : memref<512x64xf32, #tpu.memory_space<vmem>>)
    %dma_wait3A_470 = arith.constant 16 : i32
    %dma_wait3A_471 = arith.constant 0 : i32
    %dma_wait3A_472 = tpu.memref_slice %arg5[%dma_wait3A_470, %dma_wait3A_471] : memref<50x512xi32, #tpu.memory_space<vmem>> -> memref<1x512xi32, #tpu.memory_space<vmem>>
    %dma_wait3A_473 = tpu.memref_squeeze %dma_wait3A_472 : memref<1x512xi32, #tpu.memory_space<vmem>> -> memref<512xi32, #tpu.memory_space<vmem>>
    %dma_wait3A_474 = arith.constant 0 : i32
    %dma_wait3A_475 = arith.constant 0 : i32
    %dma_wait3A_476 = tpu.memref_slice %arg3[%dma_wait3A_474, %dma_wait3A_475] : memref<1000000x64xf32, #tpu.memory_space<hbm>> -> memref<1000000x64xf32, #tpu.memory_space<hbm>>
    tpu.wait_indirect_dma semaphore(%arg7 : memref<!tpu.dma_semaphore, #tpu.memory_space<semaphore_mem>>) src(%dma_wait3A_476 : memref<1000000x64xf32, #tpu.memory_space<hbm>>) dst(%arg6 : memref<512x64xf32, #tpu.memory_space<vmem>>)
    %dma_wait3A_477 = arith.constant 17 : i32
    %dma_wait3A_478 = arith.constant 0 : i32
    %dma_wait3A_479 = tpu.memref_slice %arg5[%dma_wait3A_477, %dma_wait3A_478] : memref<50x512xi32, #tpu.memory_space<vmem>> -> memref<1x512xi32, #tpu.memory_space<vmem>>
    %dma_wait3A_480 = tpu.memref_squeeze %dma_wait3A_479 : memref<1x512xi32, #tpu.memory_space<vmem>> -> memref<512xi32, #tpu.memory_space<vmem>>
    %dma_wait3A_481 = arith.constant 0 : i32
    %dma_wait3A_482 = arith.constant 0 : i32
    %dma_wait3A_483 = tpu.memref_slice %arg3[%dma_wait3A_481, %dma_wait3A_482] : memref<1000000x64xf32, #tpu.memory_space<hbm>> -> memref<1000000x64xf32, #tpu.memory_space<hbm>>
    tpu.wait_indirect_dma semaphore(%arg7 : memref<!tpu.dma_semaphore, #tpu.memory_space<semaphore_mem>>) src(%dma_wait3A_483 : memref<1000000x64xf32, #tpu.memory_space<hbm>>) dst(%arg6 : memref<512x64xf32, #tpu.memory_space<vmem>>)
    %dma_wait3A_484 = arith.constant 18 : i32
    %dma_wait3A_485 = arith.constant 0 : i32
    %dma_wait3A_486 = tpu.memref_slice %arg5[%dma_wait3A_484, %dma_wait3A_485] : memref<50x512xi32, #tpu.memory_space<vmem>> -> memref<1x512xi32, #tpu.memory_space<vmem>>
    %dma_wait3A_487 = tpu.memref_squeeze %dma_wait3A_486 : memref<1x512xi32, #tpu.memory_space<vmem>> -> memref<512xi32, #tpu.memory_space<vmem>>
    %dma_wait3A_488 = arith.constant 0 : i32
    %dma_wait3A_489 = arith.constant 0 : i32
    %dma_wait3A_490 = tpu.memref_slice %arg3[%dma_wait3A_488, %dma_wait3A_489] : memref<1000000x64xf32, #tpu.memory_space<hbm>> -> memref<1000000x64xf32, #tpu.memory_space<hbm>>
    tpu.wait_indirect_dma semaphore(%arg7 : memref<!tpu.dma_semaphore, #tpu.memory_space<semaphore_mem>>) src(%dma_wait3A_490 : memref<1000000x64xf32, #tpu.memory_space<hbm>>) dst(%arg6 : memref<512x64xf32, #tpu.memory_space<vmem>>)
    %dma_wait3A_491 = arith.constant 19 : i32
    %dma_wait3A_492 = arith.constant 0 : i32
    %dma_wait3A_493 = tpu.memref_slice %arg5[%dma_wait3A_491, %dma_wait3A_492] : memref<50x512xi32, #tpu.memory_space<vmem>> -> memref<1x512xi32, #tpu.memory_space<vmem>>
    %dma_wait3A_494 = tpu.memref_squeeze %dma_wait3A_493 : memref<1x512xi32, #tpu.memory_space<vmem>> -> memref<512xi32, #tpu.memory_space<vmem>>
    %dma_wait3A_495 = arith.constant 0 : i32
    %dma_wait3A_496 = arith.constant 0 : i32
    %dma_wait3A_497 = tpu.memref_slice %arg3[%dma_wait3A_495, %dma_wait3A_496] : memref<1000000x64xf32, #tpu.memory_space<hbm>> -> memref<1000000x64xf32, #tpu.memory_space<hbm>>
    tpu.wait_indirect_dma semaphore(%arg7 : memref<!tpu.dma_semaphore, #tpu.memory_space<semaphore_mem>>) src(%dma_wait3A_497 : memref<1000000x64xf32, #tpu.memory_space<hbm>>) dst(%arg6 : memref<512x64xf32, #tpu.memory_space<vmem>>)
    %dma_wait3A_498 = arith.constant 20 : i32
    %dma_wait3A_499 = arith.constant 0 : i32
    %dma_wait3A_500 = tpu.memref_slice %arg5[%dma_wait3A_498, %dma_wait3A_499] : memref<50x512xi32, #tpu.memory_space<vmem>> -> memref<1x512xi32, #tpu.memory_space<vmem>>
    %dma_wait3A_501 = tpu.memref_squeeze %dma_wait3A_500 : memref<1x512xi32, #tpu.memory_space<vmem>> -> memref<512xi32, #tpu.memory_space<vmem>>
    %dma_wait3A_502 = arith.constant 0 : i32
    %dma_wait3A_503 = arith.constant 0 : i32
    %dma_wait3A_504 = tpu.memref_slice %arg3[%dma_wait3A_502, %dma_wait3A_503] : memref<1000000x64xf32, #tpu.memory_space<hbm>> -> memref<1000000x64xf32, #tpu.memory_space<hbm>>
    tpu.wait_indirect_dma semaphore(%arg7 : memref<!tpu.dma_semaphore, #tpu.memory_space<semaphore_mem>>) src(%dma_wait3A_504 : memref<1000000x64xf32, #tpu.memory_space<hbm>>) dst(%arg6 : memref<512x64xf32, #tpu.memory_space<vmem>>)
    %dma_wait3A_505 = arith.constant 21 : i32
    %dma_wait3A_506 = arith.constant 0 : i32
    %dma_wait3A_507 = tpu.memref_slice %arg5[%dma_wait3A_505, %dma_wait3A_506] : memref<50x512xi32, #tpu.memory_space<vmem>> -> memref<1x512xi32, #tpu.memory_space<vmem>>
    %dma_wait3A_508 = tpu.memref_squeeze %dma_wait3A_507 : memref<1x512xi32, #tpu.memory_space<vmem>> -> memref<512xi32, #tpu.memory_space<vmem>>
    %dma_wait3A_509 = arith.constant 0 : i32
    %dma_wait3A_510 = arith.constant 0 : i32
    %dma_wait3A_511 = tpu.memref_slice %arg3[%dma_wait3A_509, %dma_wait3A_510] : memref<1000000x64xf32, #tpu.memory_space<hbm>> -> memref<1000000x64xf32, #tpu.memory_space<hbm>>
    tpu.wait_indirect_dma semaphore(%arg7 : memref<!tpu.dma_semaphore, #tpu.memory_space<semaphore_mem>>) src(%dma_wait3A_511 : memref<1000000x64xf32, #tpu.memory_space<hbm>>) dst(%arg6 : memref<512x64xf32, #tpu.memory_space<vmem>>)
    %dma_wait3A_512 = arith.constant 22 : i32
    %dma_wait3A_513 = arith.constant 0 : i32
    %dma_wait3A_514 = tpu.memref_slice %arg5[%dma_wait3A_512, %dma_wait3A_513] : memref<50x512xi32, #tpu.memory_space<vmem>> -> memref<1x512xi32, #tpu.memory_space<vmem>>
    %dma_wait3A_515 = tpu.memref_squeeze %dma_wait3A_514 : memref<1x512xi32, #tpu.memory_space<vmem>> -> memref<512xi32, #tpu.memory_space<vmem>>
    %dma_wait3A_516 = arith.constant 0 : i32
    %dma_wait3A_517 = arith.constant 0 : i32
    %dma_wait3A_518 = tpu.memref_slice %arg3[%dma_wait3A_516, %dma_wait3A_517] : memref<1000000x64xf32, #tpu.memory_space<hbm>> -> memref<1000000x64xf32, #tpu.memory_space<hbm>>
    tpu.wait_indirect_dma semaphore(%arg7 : memref<!tpu.dma_semaphore, #tpu.memory_space<semaphore_mem>>) src(%dma_wait3A_518 : memref<1000000x64xf32, #tpu.memory_space<hbm>>) dst(%arg6 : memref<512x64xf32, #tpu.memory_space<vmem>>)
    %dma_wait3A_519 = arith.constant 23 : i32
    %dma_wait3A_520 = arith.constant 0 : i32
    %dma_wait3A_521 = tpu.memref_slice %arg5[%dma_wait3A_519, %dma_wait3A_520] : memref<50x512xi32, #tpu.memory_space<vmem>> -> memref<1x512xi32, #tpu.memory_space<vmem>>
    %dma_wait3A_522 = tpu.memref_squeeze %dma_wait3A_521 : memref<1x512xi32, #tpu.memory_space<vmem>> -> memref<512xi32, #tpu.memory_space<vmem>>
    %dma_wait3A_523 = arith.constant 0 : i32
    %dma_wait3A_524 = arith.constant 0 : i32
    %dma_wait3A_525 = tpu.memref_slice %arg3[%dma_wait3A_523, %dma_wait3A_524] : memref<1000000x64xf32, #tpu.memory_space<hbm>> -> memref<1000000x64xf32, #tpu.memory_space<hbm>>
    tpu.wait_indirect_dma semaphore(%arg7 : memref<!tpu.dma_semaphore, #tpu.memory_space<semaphore_mem>>) src(%dma_wait3A_525 : memref<1000000x64xf32, #tpu.memory_space<hbm>>) dst(%arg6 : memref<512x64xf32, #tpu.memory_space<vmem>>)
    %dma_wait3A_526 = arith.constant 24 : i32
    %dma_wait3A_527 = arith.constant 0 : i32
    %dma_wait3A_528 = tpu.memref_slice %arg5[%dma_wait3A_526, %dma_wait3A_527] : memref<50x512xi32, #tpu.memory_space<vmem>> -> memref<1x512xi32, #tpu.memory_space<vmem>>
    %dma_wait3A_529 = tpu.memref_squeeze %dma_wait3A_528 : memref<1x512xi32, #tpu.memory_space<vmem>> -> memref<512xi32, #tpu.memory_space<vmem>>
    %dma_wait3A_530 = arith.constant 0 : i32
    %dma_wait3A_531 = arith.constant 0 : i32
    %dma_wait3A_532 = tpu.memref_slice %arg3[%dma_wait3A_530, %dma_wait3A_531] : memref<1000000x64xf32, #tpu.memory_space<hbm>> -> memref<1000000x64xf32, #tpu.memory_space<hbm>>
    tpu.wait_indirect_dma semaphore(%arg7 : memref<!tpu.dma_semaphore, #tpu.memory_space<semaphore_mem>>) src(%dma_wait3A_532 : memref<1000000x64xf32, #tpu.memory_space<hbm>>) dst(%arg6 : memref<512x64xf32, #tpu.memory_space<vmem>>)
    %dma_wait3A_533 = arith.constant 25 : i32
    %dma_wait3A_534 = arith.constant 0 : i32
    %dma_wait3A_535 = tpu.memref_slice %arg5[%dma_wait3A_533, %dma_wait3A_534] : memref<50x512xi32, #tpu.memory_space<vmem>> -> memref<1x512xi32, #tpu.memory_space<vmem>>
    %dma_wait3A_536 = tpu.memref_squeeze %dma_wait3A_535 : memref<1x512xi32, #tpu.memory_space<vmem>> -> memref<512xi32, #tpu.memory_space<vmem>>
    %dma_wait3A_537 = arith.constant 0 : i32
    %dma_wait3A_538 = arith.constant 0 : i32
    %dma_wait3A_539 = tpu.memref_slice %arg3[%dma_wait3A_537, %dma_wait3A_538] : memref<1000000x64xf32, #tpu.memory_space<hbm>> -> memref<1000000x64xf32, #tpu.memory_space<hbm>>
    tpu.wait_indirect_dma semaphore(%arg7 : memref<!tpu.dma_semaphore, #tpu.memory_space<semaphore_mem>>) src(%dma_wait3A_539 : memref<1000000x64xf32, #tpu.memory_space<hbm>>) dst(%arg6 : memref<512x64xf32, #tpu.memory_space<vmem>>)
    %dma_wait3A_540 = arith.constant 26 : i32
    %dma_wait3A_541 = arith.constant 0 : i32
    %dma_wait3A_542 = tpu.memref_slice %arg5[%dma_wait3A_540, %dma_wait3A_541] : memref<50x512xi32, #tpu.memory_space<vmem>> -> memref<1x512xi32, #tpu.memory_space<vmem>>
    %dma_wait3A_543 = tpu.memref_squeeze %dma_wait3A_542 : memref<1x512xi32, #tpu.memory_space<vmem>> -> memref<512xi32, #tpu.memory_space<vmem>>
    %dma_wait3A_544 = arith.constant 0 : i32
    %dma_wait3A_545 = arith.constant 0 : i32
    %dma_wait3A_546 = tpu.memref_slice %arg3[%dma_wait3A_544, %dma_wait3A_545] : memref<1000000x64xf32, #tpu.memory_space<hbm>> -> memref<1000000x64xf32, #tpu.memory_space<hbm>>
    tpu.wait_indirect_dma semaphore(%arg7 : memref<!tpu.dma_semaphore, #tpu.memory_space<semaphore_mem>>) src(%dma_wait3A_546 : memref<1000000x64xf32, #tpu.memory_space<hbm>>) dst(%arg6 : memref<512x64xf32, #tpu.memory_space<vmem>>)
    %dma_wait3A_547 = arith.constant 27 : i32
    %dma_wait3A_548 = arith.constant 0 : i32
    %dma_wait3A_549 = tpu.memref_slice %arg5[%dma_wait3A_547, %dma_wait3A_548] : memref<50x512xi32, #tpu.memory_space<vmem>> -> memref<1x512xi32, #tpu.memory_space<vmem>>
    %dma_wait3A_550 = tpu.memref_squeeze %dma_wait3A_549 : memref<1x512xi32, #tpu.memory_space<vmem>> -> memref<512xi32, #tpu.memory_space<vmem>>
    %dma_wait3A_551 = arith.constant 0 : i32
    %dma_wait3A_552 = arith.constant 0 : i32
    %dma_wait3A_553 = tpu.memref_slice %arg3[%dma_wait3A_551, %dma_wait3A_552] : memref<1000000x64xf32, #tpu.memory_space<hbm>> -> memref<1000000x64xf32, #tpu.memory_space<hbm>>
    tpu.wait_indirect_dma semaphore(%arg7 : memref<!tpu.dma_semaphore, #tpu.memory_space<semaphore_mem>>) src(%dma_wait3A_553 : memref<1000000x64xf32, #tpu.memory_space<hbm>>) dst(%arg6 : memref<512x64xf32, #tpu.memory_space<vmem>>)
    %dma_wait3A_554 = arith.constant 28 : i32
    %dma_wait3A_555 = arith.constant 0 : i32
    %dma_wait3A_556 = tpu.memref_slice %arg5[%dma_wait3A_554, %dma_wait3A_555] : memref<50x512xi32, #tpu.memory_space<vmem>> -> memref<1x512xi32, #tpu.memory_space<vmem>>
    %dma_wait3A_557 = tpu.memref_squeeze %dma_wait3A_556 : memref<1x512xi32, #tpu.memory_space<vmem>> -> memref<512xi32, #tpu.memory_space<vmem>>
    %dma_wait3A_558 = arith.constant 0 : i32
    %dma_wait3A_559 = arith.constant 0 : i32
    %dma_wait3A_560 = tpu.memref_slice %arg3[%dma_wait3A_558, %dma_wait3A_559] : memref<1000000x64xf32, #tpu.memory_space<hbm>> -> memref<1000000x64xf32, #tpu.memory_space<hbm>>
    tpu.wait_indirect_dma semaphore(%arg7 : memref<!tpu.dma_semaphore, #tpu.memory_space<semaphore_mem>>) src(%dma_wait3A_560 : memref<1000000x64xf32, #tpu.memory_space<hbm>>) dst(%arg6 : memref<512x64xf32, #tpu.memory_space<vmem>>)
    %dma_wait3A_561 = arith.constant 29 : i32
    %dma_wait3A_562 = arith.constant 0 : i32
    %dma_wait3A_563 = tpu.memref_slice %arg5[%dma_wait3A_561, %dma_wait3A_562] : memref<50x512xi32, #tpu.memory_space<vmem>> -> memref<1x512xi32, #tpu.memory_space<vmem>>
    %dma_wait3A_564 = tpu.memref_squeeze %dma_wait3A_563 : memref<1x512xi32, #tpu.memory_space<vmem>> -> memref<512xi32, #tpu.memory_space<vmem>>
    %dma_wait3A_565 = arith.constant 0 : i32
    %dma_wait3A_566 = arith.constant 0 : i32
    %dma_wait3A_567 = tpu.memref_slice %arg3[%dma_wait3A_565, %dma_wait3A_566] : memref<1000000x64xf32, #tpu.memory_space<hbm>> -> memref<1000000x64xf32, #tpu.memory_space<hbm>>
    tpu.wait_indirect_dma semaphore(%arg7 : memref<!tpu.dma_semaphore, #tpu.memory_space<semaphore_mem>>) src(%dma_wait3A_567 : memref<1000000x64xf32, #tpu.memory_space<hbm>>) dst(%arg6 : memref<512x64xf32, #tpu.memory_space<vmem>>)
    %dma_wait3A_568 = arith.constant 30 : i32
    %dma_wait3A_569 = arith.constant 0 : i32
    %dma_wait3A_570 = tpu.memref_slice %arg5[%dma_wait3A_568, %dma_wait3A_569] : memref<50x512xi32, #tpu.memory_space<vmem>> -> memref<1x512xi32, #tpu.memory_space<vmem>>
    %dma_wait3A_571 = tpu.memref_squeeze %dma_wait3A_570 : memref<1x512xi32, #tpu.memory_space<vmem>> -> memref<512xi32, #tpu.memory_space<vmem>>
    %dma_wait3A_572 = arith.constant 0 : i32
    %dma_wait3A_573 = arith.constant 0 : i32
    %dma_wait3A_574 = tpu.memref_slice %arg3[%dma_wait3A_572, %dma_wait3A_573] : memref<1000000x64xf32, #tpu.memory_space<hbm>> -> memref<1000000x64xf32, #tpu.memory_space<hbm>>
    tpu.wait_indirect_dma semaphore(%arg7 : memref<!tpu.dma_semaphore, #tpu.memory_space<semaphore_mem>>) src(%dma_wait3A_574 : memref<1000000x64xf32, #tpu.memory_space<hbm>>) dst(%arg6 : memref<512x64xf32, #tpu.memory_space<vmem>>)
    %dma_wait3A_575 = arith.constant 31 : i32
    %dma_wait3A_576 = arith.constant 0 : i32
    %dma_wait3A_577 = tpu.memref_slice %arg5[%dma_wait3A_575, %dma_wait3A_576] : memref<50x512xi32, #tpu.memory_space<vmem>> -> memref<1x512xi32, #tpu.memory_space<vmem>>
    %dma_wait3A_578 = tpu.memref_squeeze %dma_wait3A_577 : memref<1x512xi32, #tpu.memory_space<vmem>> -> memref<512xi32, #tpu.memory_space<vmem>>
    %dma_wait3A_579 = arith.constant 0 : i32
    %dma_wait3A_580 = arith.constant 0 : i32
    %dma_wait3A_581 = tpu.memref_slice %arg3[%dma_wait3A_579, %dma_wait3A_580] : memref<1000000x64xf32, #tpu.memory_space<hbm>> -> memref<1000000x64xf32, #tpu.memory_space<hbm>>
    tpu.wait_indirect_dma semaphore(%arg7 : memref<!tpu.dma_semaphore, #tpu.memory_space<semaphore_mem>>) src(%dma_wait3A_581 : memref<1000000x64xf32, #tpu.memory_space<hbm>>) dst(%arg6 : memref<512x64xf32, #tpu.memory_space<vmem>>)
    %dma_wait3A_582 = arith.constant 32 : i32
    %dma_wait3A_583 = arith.constant 0 : i32
    %dma_wait3A_584 = tpu.memref_slice %arg5[%dma_wait3A_582, %dma_wait3A_583] : memref<50x512xi32, #tpu.memory_space<vmem>> -> memref<1x512xi32, #tpu.memory_space<vmem>>
    %dma_wait3A_585 = tpu.memref_squeeze %dma_wait3A_584 : memref<1x512xi32, #tpu.memory_space<vmem>> -> memref<512xi32, #tpu.memory_space<vmem>>
    %dma_wait3A_586 = arith.constant 0 : i32
    %dma_wait3A_587 = arith.constant 0 : i32
    %dma_wait3A_588 = tpu.memref_slice %arg3[%dma_wait3A_586, %dma_wait3A_587] : memref<1000000x64xf32, #tpu.memory_space<hbm>> -> memref<1000000x64xf32, #tpu.memory_space<hbm>>
    tpu.wait_indirect_dma semaphore(%arg7 : memref<!tpu.dma_semaphore, #tpu.memory_space<semaphore_mem>>) src(%dma_wait3A_588 : memref<1000000x64xf32, #tpu.memory_space<hbm>>) dst(%arg6 : memref<512x64xf32, #tpu.memory_space<vmem>>)
    %dma_wait3A_589 = arith.constant 33 : i32
    %dma_wait3A_590 = arith.constant 0 : i32
    %dma_wait3A_591 = tpu.memref_slice %arg5[%dma_wait3A_589, %dma_wait3A_590] : memref<50x512xi32, #tpu.memory_space<vmem>> -> memref<1x512xi32, #tpu.memory_space<vmem>>
    %dma_wait3A_592 = tpu.memref_squeeze %dma_wait3A_591 : memref<1x512xi32, #tpu.memory_space<vmem>> -> memref<512xi32, #tpu.memory_space<vmem>>
    %dma_wait3A_593 = arith.constant 0 : i32
    %dma_wait3A_594 = arith.constant 0 : i32
    %dma_wait3A_595 = tpu.memref_slice %arg3[%dma_wait3A_593, %dma_wait3A_594] : memref<1000000x64xf32, #tpu.memory_space<hbm>> -> memref<1000000x64xf32, #tpu.memory_space<hbm>>
    tpu.wait_indirect_dma semaphore(%arg7 : memref<!tpu.dma_semaphore, #tpu.memory_space<semaphore_mem>>) src(%dma_wait3A_595 : memref<1000000x64xf32, #tpu.memory_space<hbm>>) dst(%arg6 : memref<512x64xf32, #tpu.memory_space<vmem>>)
    %dma_wait3A_596 = arith.constant 34 : i32
    %dma_wait3A_597 = arith.constant 0 : i32
    %dma_wait3A_598 = tpu.memref_slice %arg5[%dma_wait3A_596, %dma_wait3A_597] : memref<50x512xi32, #tpu.memory_space<vmem>> -> memref<1x512xi32, #tpu.memory_space<vmem>>
    %dma_wait3A_599 = tpu.memref_squeeze %dma_wait3A_598 : memref<1x512xi32, #tpu.memory_space<vmem>> -> memref<512xi32, #tpu.memory_space<vmem>>
    %dma_wait3A_600 = arith.constant 0 : i32
    %dma_wait3A_601 = arith.constant 0 : i32
    %dma_wait3A_602 = tpu.memref_slice %arg3[%dma_wait3A_600, %dma_wait3A_601] : memref<1000000x64xf32, #tpu.memory_space<hbm>> -> memref<1000000x64xf32, #tpu.memory_space<hbm>>
    tpu.wait_indirect_dma semaphore(%arg7 : memref<!tpu.dma_semaphore, #tpu.memory_space<semaphore_mem>>) src(%dma_wait3A_602 : memref<1000000x64xf32, #tpu.memory_space<hbm>>) dst(%arg6 : memref<512x64xf32, #tpu.memory_space<vmem>>)
    %dma_wait3A_603 = arith.constant 35 : i32
    %dma_wait3A_604 = arith.constant 0 : i32
    %dma_wait3A_605 = tpu.memref_slice %arg5[%dma_wait3A_603, %dma_wait3A_604] : memref<50x512xi32, #tpu.memory_space<vmem>> -> memref<1x512xi32, #tpu.memory_space<vmem>>
    %dma_wait3A_606 = tpu.memref_squeeze %dma_wait3A_605 : memref<1x512xi32, #tpu.memory_space<vmem>> -> memref<512xi32, #tpu.memory_space<vmem>>
    %dma_wait3A_607 = arith.constant 0 : i32
    %dma_wait3A_608 = arith.constant 0 : i32
    %dma_wait3A_609 = tpu.memref_slice %arg3[%dma_wait3A_607, %dma_wait3A_608] : memref<1000000x64xf32, #tpu.memory_space<hbm>> -> memref<1000000x64xf32, #tpu.memory_space<hbm>>
    tpu.wait_indirect_dma semaphore(%arg7 : memref<!tpu.dma_semaphore, #tpu.memory_space<semaphore_mem>>) src(%dma_wait3A_609 : memref<1000000x64xf32, #tpu.memory_space<hbm>>) dst(%arg6 : memref<512x64xf32, #tpu.memory_space<vmem>>)
    %dma_wait3A_610 = arith.constant 36 : i32
    %dma_wait3A_611 = arith.constant 0 : i32
    %dma_wait3A_612 = tpu.memref_slice %arg5[%dma_wait3A_610, %dma_wait3A_611] : memref<50x512xi32, #tpu.memory_space<vmem>> -> memref<1x512xi32, #tpu.memory_space<vmem>>
    %dma_wait3A_613 = tpu.memref_squeeze %dma_wait3A_612 : memref<1x512xi32, #tpu.memory_space<vmem>> -> memref<512xi32, #tpu.memory_space<vmem>>
    %dma_wait3A_614 = arith.constant 0 : i32
    %dma_wait3A_615 = arith.constant 0 : i32
    %dma_wait3A_616 = tpu.memref_slice %arg3[%dma_wait3A_614, %dma_wait3A_615] : memref<1000000x64xf32, #tpu.memory_space<hbm>> -> memref<1000000x64xf32, #tpu.memory_space<hbm>>
    tpu.wait_indirect_dma semaphore(%arg7 : memref<!tpu.dma_semaphore, #tpu.memory_space<semaphore_mem>>) src(%dma_wait3A_616 : memref<1000000x64xf32, #tpu.memory_space<hbm>>) dst(%arg6 : memref<512x64xf32, #tpu.memory_space<vmem>>)
    %dma_wait3A_617 = arith.constant 37 : i32
    %dma_wait3A_618 = arith.constant 0 : i32
    %dma_wait3A_619 = tpu.memref_slice %arg5[%dma_wait3A_617, %dma_wait3A_618] : memref<50x512xi32, #tpu.memory_space<vmem>> -> memref<1x512xi32, #tpu.memory_space<vmem>>
    %dma_wait3A_620 = tpu.memref_squeeze %dma_wait3A_619 : memref<1x512xi32, #tpu.memory_space<vmem>> -> memref<512xi32, #tpu.memory_space<vmem>>
    %dma_wait3A_621 = arith.constant 0 : i32
    %dma_wait3A_622 = arith.constant 0 : i32
    %dma_wait3A_623 = tpu.memref_slice %arg3[%dma_wait3A_621, %dma_wait3A_622] : memref<1000000x64xf32, #tpu.memory_space<hbm>> -> memref<1000000x64xf32, #tpu.memory_space<hbm>>
    tpu.wait_indirect_dma semaphore(%arg7 : memref<!tpu.dma_semaphore, #tpu.memory_space<semaphore_mem>>) src(%dma_wait3A_623 : memref<1000000x64xf32, #tpu.memory_space<hbm>>) dst(%arg6 : memref<512x64xf32, #tpu.memory_space<vmem>>)
    %dma_wait3A_624 = arith.constant 38 : i32
    %dma_wait3A_625 = arith.constant 0 : i32
    %dma_wait3A_626 = tpu.memref_slice %arg5[%dma_wait3A_624, %dma_wait3A_625] : memref<50x512xi32, #tpu.memory_space<vmem>> -> memref<1x512xi32, #tpu.memory_space<vmem>>
    %dma_wait3A_627 = tpu.memref_squeeze %dma_wait3A_626 : memref<1x512xi32, #tpu.memory_space<vmem>> -> memref<512xi32, #tpu.memory_space<vmem>>
    %dma_wait3A_628 = arith.constant 0 : i32
    %dma_wait3A_629 = arith.constant 0 : i32
    %dma_wait3A_630 = tpu.memref_slice %arg3[%dma_wait3A_628, %dma_wait3A_629] : memref<1000000x64xf32, #tpu.memory_space<hbm>> -> memref<1000000x64xf32, #tpu.memory_space<hbm>>
    tpu.wait_indirect_dma semaphore(%arg7 : memref<!tpu.dma_semaphore, #tpu.memory_space<semaphore_mem>>) src(%dma_wait3A_630 : memref<1000000x64xf32, #tpu.memory_space<hbm>>) dst(%arg6 : memref<512x64xf32, #tpu.memory_space<vmem>>)
    %dma_wait3A_631 = arith.constant 39 : i32
    %dma_wait3A_632 = arith.constant 0 : i32
    %dma_wait3A_633 = tpu.memref_slice %arg5[%dma_wait3A_631, %dma_wait3A_632] : memref<50x512xi32, #tpu.memory_space<vmem>> -> memref<1x512xi32, #tpu.memory_space<vmem>>
    %dma_wait3A_634 = tpu.memref_squeeze %dma_wait3A_633 : memref<1x512xi32, #tpu.memory_space<vmem>> -> memref<512xi32, #tpu.memory_space<vmem>>
    %dma_wait3A_635 = arith.constant 0 : i32
    %dma_wait3A_636 = arith.constant 0 : i32
    %dma_wait3A_637 = tpu.memref_slice %arg3[%dma_wait3A_635, %dma_wait3A_636] : memref<1000000x64xf32, #tpu.memory_space<hbm>> -> memref<1000000x64xf32, #tpu.memory_space<hbm>>
    tpu.wait_indirect_dma semaphore(%arg7 : memref<!tpu.dma_semaphore, #tpu.memory_space<semaphore_mem>>) src(%dma_wait3A_637 : memref<1000000x64xf32, #tpu.memory_space<hbm>>) dst(%arg6 : memref<512x64xf32, #tpu.memory_space<vmem>>)
    %dma_wait3A_638 = arith.constant 40 : i32
    %dma_wait3A_639 = arith.constant 0 : i32
    %dma_wait3A_640 = tpu.memref_slice %arg5[%dma_wait3A_638, %dma_wait3A_639] : memref<50x512xi32, #tpu.memory_space<vmem>> -> memref<1x512xi32, #tpu.memory_space<vmem>>
    %dma_wait3A_641 = tpu.memref_squeeze %dma_wait3A_640 : memref<1x512xi32, #tpu.memory_space<vmem>> -> memref<512xi32, #tpu.memory_space<vmem>>
    %dma_wait3A_642 = arith.constant 0 : i32
    %dma_wait3A_643 = arith.constant 0 : i32
    %dma_wait3A_644 = tpu.memref_slice %arg3[%dma_wait3A_642, %dma_wait3A_643] : memref<1000000x64xf32, #tpu.memory_space<hbm>> -> memref<1000000x64xf32, #tpu.memory_space<hbm>>
    tpu.wait_indirect_dma semaphore(%arg7 : memref<!tpu.dma_semaphore, #tpu.memory_space<semaphore_mem>>) src(%dma_wait3A_644 : memref<1000000x64xf32, #tpu.memory_space<hbm>>) dst(%arg6 : memref<512x64xf32, #tpu.memory_space<vmem>>)
    %dma_wait3A_645 = arith.constant 41 : i32
    %dma_wait3A_646 = arith.constant 0 : i32
    %dma_wait3A_647 = tpu.memref_slice %arg5[%dma_wait3A_645, %dma_wait3A_646] : memref<50x512xi32, #tpu.memory_space<vmem>> -> memref<1x512xi32, #tpu.memory_space<vmem>>
    %dma_wait3A_648 = tpu.memref_squeeze %dma_wait3A_647 : memref<1x512xi32, #tpu.memory_space<vmem>> -> memref<512xi32, #tpu.memory_space<vmem>>
    %dma_wait3A_649 = arith.constant 0 : i32
    %dma_wait3A_650 = arith.constant 0 : i32
    %dma_wait3A_651 = tpu.memref_slice %arg3[%dma_wait3A_649, %dma_wait3A_650] : memref<1000000x64xf32, #tpu.memory_space<hbm>> -> memref<1000000x64xf32, #tpu.memory_space<hbm>>
    tpu.wait_indirect_dma semaphore(%arg7 : memref<!tpu.dma_semaphore, #tpu.memory_space<semaphore_mem>>) src(%dma_wait3A_651 : memref<1000000x64xf32, #tpu.memory_space<hbm>>) dst(%arg6 : memref<512x64xf32, #tpu.memory_space<vmem>>)
    %dma_wait3A_652 = arith.constant 42 : i32
    %dma_wait3A_653 = arith.constant 0 : i32
    %dma_wait3A_654 = tpu.memref_slice %arg5[%dma_wait3A_652, %dma_wait3A_653] : memref<50x512xi32, #tpu.memory_space<vmem>> -> memref<1x512xi32, #tpu.memory_space<vmem>>
    %dma_wait3A_655 = tpu.memref_squeeze %dma_wait3A_654 : memref<1x512xi32, #tpu.memory_space<vmem>> -> memref<512xi32, #tpu.memory_space<vmem>>
    %dma_wait3A_656 = arith.constant 0 : i32
    %dma_wait3A_657 = arith.constant 0 : i32
    %dma_wait3A_658 = tpu.memref_slice %arg3[%dma_wait3A_656, %dma_wait3A_657] : memref<1000000x64xf32, #tpu.memory_space<hbm>> -> memref<1000000x64xf32, #tpu.memory_space<hbm>>
    tpu.wait_indirect_dma semaphore(%arg7 : memref<!tpu.dma_semaphore, #tpu.memory_space<semaphore_mem>>) src(%dma_wait3A_658 : memref<1000000x64xf32, #tpu.memory_space<hbm>>) dst(%arg6 : memref<512x64xf32, #tpu.memory_space<vmem>>)
    %dma_wait3A_659 = arith.constant 43 : i32
    %dma_wait3A_660 = arith.constant 0 : i32
    %dma_wait3A_661 = tpu.memref_slice %arg5[%dma_wait3A_659, %dma_wait3A_660] : memref<50x512xi32, #tpu.memory_space<vmem>> -> memref<1x512xi32, #tpu.memory_space<vmem>>
    %dma_wait3A_662 = tpu.memref_squeeze %dma_wait3A_661 : memref<1x512xi32, #tpu.memory_space<vmem>> -> memref<512xi32, #tpu.memory_space<vmem>>
    %dma_wait3A_663 = arith.constant 0 : i32
    %dma_wait3A_664 = arith.constant 0 : i32
    %dma_wait3A_665 = tpu.memref_slice %arg3[%dma_wait3A_663, %dma_wait3A_664] : memref<1000000x64xf32, #tpu.memory_space<hbm>> -> memref<1000000x64xf32, #tpu.memory_space<hbm>>
    tpu.wait_indirect_dma semaphore(%arg7 : memref<!tpu.dma_semaphore, #tpu.memory_space<semaphore_mem>>) src(%dma_wait3A_665 : memref<1000000x64xf32, #tpu.memory_space<hbm>>) dst(%arg6 : memref<512x64xf32, #tpu.memory_space<vmem>>)
    %dma_wait3A_666 = arith.constant 44 : i32
    %dma_wait3A_667 = arith.constant 0 : i32
    %dma_wait3A_668 = tpu.memref_slice %arg5[%dma_wait3A_666, %dma_wait3A_667] : memref<50x512xi32, #tpu.memory_space<vmem>> -> memref<1x512xi32, #tpu.memory_space<vmem>>
    %dma_wait3A_669 = tpu.memref_squeeze %dma_wait3A_668 : memref<1x512xi32, #tpu.memory_space<vmem>> -> memref<512xi32, #tpu.memory_space<vmem>>
    %dma_wait3A_670 = arith.constant 0 : i32
    %dma_wait3A_671 = arith.constant 0 : i32
    %dma_wait3A_672 = tpu.memref_slice %arg3[%dma_wait3A_670, %dma_wait3A_671] : memref<1000000x64xf32, #tpu.memory_space<hbm>> -> memref<1000000x64xf32, #tpu.memory_space<hbm>>
    tpu.wait_indirect_dma semaphore(%arg7 : memref<!tpu.dma_semaphore, #tpu.memory_space<semaphore_mem>>) src(%dma_wait3A_672 : memref<1000000x64xf32, #tpu.memory_space<hbm>>) dst(%arg6 : memref<512x64xf32, #tpu.memory_space<vmem>>)
    %dma_wait3A_673 = arith.constant 45 : i32
    %dma_wait3A_674 = arith.constant 0 : i32
    %dma_wait3A_675 = tpu.memref_slice %arg5[%dma_wait3A_673, %dma_wait3A_674] : memref<50x512xi32, #tpu.memory_space<vmem>> -> memref<1x512xi32, #tpu.memory_space<vmem>>
    %dma_wait3A_676 = tpu.memref_squeeze %dma_wait3A_675 : memref<1x512xi32, #tpu.memory_space<vmem>> -> memref<512xi32, #tpu.memory_space<vmem>>
    %dma_wait3A_677 = arith.constant 0 : i32
    %dma_wait3A_678 = arith.constant 0 : i32
    %dma_wait3A_679 = tpu.memref_slice %arg3[%dma_wait3A_677, %dma_wait3A_678] : memref<1000000x64xf32, #tpu.memory_space<hbm>> -> memref<1000000x64xf32, #tpu.memory_space<hbm>>
    tpu.wait_indirect_dma semaphore(%arg7 : memref<!tpu.dma_semaphore, #tpu.memory_space<semaphore_mem>>) src(%dma_wait3A_679 : memref<1000000x64xf32, #tpu.memory_space<hbm>>) dst(%arg6 : memref<512x64xf32, #tpu.memory_space<vmem>>)
    %dma_wait3A_680 = arith.constant 46 : i32
    %dma_wait3A_681 = arith.constant 0 : i32
    %dma_wait3A_682 = tpu.memref_slice %arg5[%dma_wait3A_680, %dma_wait3A_681] : memref<50x512xi32, #tpu.memory_space<vmem>> -> memref<1x512xi32, #tpu.memory_space<vmem>>
    %dma_wait3A_683 = tpu.memref_squeeze %dma_wait3A_682 : memref<1x512xi32, #tpu.memory_space<vmem>> -> memref<512xi32, #tpu.memory_space<vmem>>
    %dma_wait3A_684 = arith.constant 0 : i32
    %dma_wait3A_685 = arith.constant 0 : i32
    %dma_wait3A_686 = tpu.memref_slice %arg3[%dma_wait3A_684, %dma_wait3A_685] : memref<1000000x64xf32, #tpu.memory_space<hbm>> -> memref<1000000x64xf32, #tpu.memory_space<hbm>>
    tpu.wait_indirect_dma semaphore(%arg7 : memref<!tpu.dma_semaphore, #tpu.memory_space<semaphore_mem>>) src(%dma_wait3A_686 : memref<1000000x64xf32, #tpu.memory_space<hbm>>) dst(%arg6 : memref<512x64xf32, #tpu.memory_space<vmem>>)
    %dma_wait3A_687 = arith.constant 47 : i32
    %dma_wait3A_688 = arith.constant 0 : i32
    %dma_wait3A_689 = tpu.memref_slice %arg5[%dma_wait3A_687, %dma_wait3A_688] : memref<50x512xi32, #tpu.memory_space<vmem>> -> memref<1x512xi32, #tpu.memory_space<vmem>>
    %dma_wait3A_690 = tpu.memref_squeeze %dma_wait3A_689 : memref<1x512xi32, #tpu.memory_space<vmem>> -> memref<512xi32, #tpu.memory_space<vmem>>
    %dma_wait3A_691 = arith.constant 0 : i32
    %dma_wait3A_692 = arith.constant 0 : i32
    %dma_wait3A_693 = tpu.memref_slice %arg3[%dma_wait3A_691, %dma_wait3A_692] : memref<1000000x64xf32, #tpu.memory_space<hbm>> -> memref<1000000x64xf32, #tpu.memory_space<hbm>>
    tpu.wait_indirect_dma semaphore(%arg7 : memref<!tpu.dma_semaphore, #tpu.memory_space<semaphore_mem>>) src(%dma_wait3A_693 : memref<1000000x64xf32, #tpu.memory_space<hbm>>) dst(%arg6 : memref<512x64xf32, #tpu.memory_space<vmem>>)
    %dma_wait3A_694 = arith.constant 48 : i32
    %dma_wait3A_695 = arith.constant 0 : i32
    %dma_wait3A_696 = tpu.memref_slice %arg5[%dma_wait3A_694, %dma_wait3A_695] : memref<50x512xi32, #tpu.memory_space<vmem>> -> memref<1x512xi32, #tpu.memory_space<vmem>>
    %dma_wait3A_697 = tpu.memref_squeeze %dma_wait3A_696 : memref<1x512xi32, #tpu.memory_space<vmem>> -> memref<512xi32, #tpu.memory_space<vmem>>
    %dma_wait3A_698 = arith.constant 0 : i32
    %dma_wait3A_699 = arith.constant 0 : i32
    %dma_wait3A_700 = tpu.memref_slice %arg3[%dma_wait3A_698, %dma_wait3A_699] : memref<1000000x64xf32, #tpu.memory_space<hbm>> -> memref<1000000x64xf32, #tpu.memory_space<hbm>>
    tpu.wait_indirect_dma semaphore(%arg7 : memref<!tpu.dma_semaphore, #tpu.memory_space<semaphore_mem>>) src(%dma_wait3A_700 : memref<1000000x64xf32, #tpu.memory_space<hbm>>) dst(%arg6 : memref<512x64xf32, #tpu.memory_space<vmem>>)
    %dma_wait3A_701 = arith.constant 49 : i32
    %dma_wait3A_702 = arith.constant 0 : i32
    %dma_wait3A_703 = tpu.memref_slice %arg5[%dma_wait3A_701, %dma_wait3A_702] : memref<50x512xi32, #tpu.memory_space<vmem>> -> memref<1x512xi32, #tpu.memory_space<vmem>>
    %dma_wait3A_704 = tpu.memref_squeeze %dma_wait3A_703 : memref<1x512xi32, #tpu.memory_space<vmem>> -> memref<512xi32, #tpu.memory_space<vmem>>
    %dma_wait3A_705 = arith.constant 0 : i32
    %dma_wait3A_706 = arith.constant 0 : i32
    %dma_wait3A_707 = tpu.memref_slice %arg3[%dma_wait3A_705, %dma_wait3A_706] : memref<1000000x64xf32, #tpu.memory_space<hbm>> -> memref<1000000x64xf32, #tpu.memory_space<hbm>>
    tpu.wait_indirect_dma semaphore(%arg7 : memref<!tpu.dma_semaphore, #tpu.memory_space<semaphore_mem>>) src(%dma_wait3A_707 : memref<1000000x64xf32, #tpu.memory_space<hbm>>) dst(%arg6 : memref<512x64xf32, #tpu.memory_space<vmem>>)
    "tpu.region"() ({
      %run_scoped3A = tpu.sem_alloc : memref<!tpu.dma_semaphore, #tpu.memory_space<semaphore_mem>>
      %dma_start3A_708 = arith.constant 0 : i32
      %dma_start3A_709 = tpu.memref_slice %arg4[%mul3A_2, %dma_start3A_708] : memref<16384x64xf32, #tpu.memory_space<hbm>> -> memref<512x64xf32, #tpu.memory_space<hbm>>
      %dma_start3A_710 = arith.constant 0 : i32
      %dma_start3A_711 = tpu.memref_slice %arg4[%mul3A_2, %dma_start3A_710] : memref<16384x64xf32, #tpu.memory_space<hbm>> -> memref<512x64xf32, #tpu.memory_space<hbm>>
      tpu.enqueue_dma source(%arg6 : memref<512x64xf32, #tpu.memory_space<vmem>>) target(%dma_start3A_711 : memref<512x64xf32, #tpu.memory_space<hbm>>) target_semaphore(%run_scoped3A : memref<!tpu.dma_semaphore, #tpu.memory_space<semaphore_mem>>)
      %dma_wait3A_712 = arith.constant 0 : i32
      %dma_wait3A_713 = tpu.memref_slice %arg4[%mul3A_2, %dma_wait3A_712] : memref<16384x64xf32, #tpu.memory_space<hbm>> -> memref<512x64xf32, #tpu.memory_space<hbm>>
      %dma_wait3A_714 = arith.constant 0 : i32
      %dma_wait3A_715 = tpu.memref_slice %arg4[%mul3A_2, %dma_wait3A_714] : memref<16384x64xf32, #tpu.memory_space<hbm>> -> memref<512x64xf32, #tpu.memory_space<hbm>>
      tpu.wait_dma2 semaphore(%run_scoped3A : memref<!tpu.dma_semaphore, #tpu.memory_space<semaphore_mem>>) src(%arg6 : memref<512x64xf32, #tpu.memory_space<vmem>>) dst(%dma_wait3A_715 : memref<512x64xf32, #tpu.memory_space<hbm>>)
      tpu.yield
    }) : () -> ()
    return
  }
}

module attributes {stable_mosaic.version = 14 : i64} {
  func.func @tail_kernel(%arg0: i32, %arg1: memref<2048x64xf32, #tpu.memory_space<vmem>>, %arg2: memref<2x64xf32, #tpu.memory_space<vmem>>, %arg3: memref<1x2xf32, #tpu.memory_space<vmem>>, %arg4: memref<2048x2xf32, #tpu.memory_space<vmem>>) attributes {dimension_semantics = [#tpu.dimension_semantics<arbitrary>], iteration_bounds = array<i64: 8>, scalar_prefetch = 0 : i64, scratch_operands = 0 : i64, tpu.core_type = #tpu.core_type<tc>, window_params = [{transform_indices = @transform_0, window_bounds = array<i64: 2048, 64>}, {pipeline_mode = #tpu.pipeline_mode<synchronous>, transform_indices = @transform_1, window_bounds = array<i64: 2, 64>}, {pipeline_mode = #tpu.pipeline_mode<synchronous>, transform_indices = @transform_2, window_bounds = array<i64: 1, 2>}, {transform_indices = @transform_3, window_bounds = array<i64: 2048, 2>}]} {
    %get3A = arith.constant 0 : index
    %get3A_0 = arith.constant 0 : index
    %get3A_1 = vector.load %arg1[%get3A, %get3A_0] : memref<2048x64xf32, #tpu.memory_space<vmem>>, vector<2048x64xf32>
    %get3A_2 = arith.constant 0 : index
    %get3A_3 = arith.constant 0 : index
    %get3A_4 = vector.load %arg2[%get3A_2, %get3A_3] : memref<2x64xf32, #tpu.memory_space<vmem>>, vector<2x64xf32>
    %get3A_5 = arith.constant 0 : index
    %get3A_6 = arith.constant 0 : index
    %get3A_7 = vector.load %arg3[%get3A_5, %get3A_6] : memref<1x2xf32, #tpu.memory_space<vmem>>, vector<1x2xf32>
    %slice3A = vector.extract_strided_slice %get3A_4 {offsets = [0, 0], sizes = [1, 64], strides = [1, 1]} : vector<2x64xf32> to vector<1x64xf32>
    %mul3A = vector.broadcast %slice3A : vector<1x64xf32> to vector<2048x64xf32>
    %mul3A_8 = arith.mulf %get3A_1, %mul3A : vector<2048x64xf32>
    %reduce_sum3A = arith.constant dense<0.000000e+00> : vector<2048xf32>
    %reduce_sum3A_9 = vector.multi_reduction <add>, %mul3A_8, %reduce_sum3A [1] : vector<2048x64xf32> to vector<2048xf32>
    %broadcast_in_dim3A = vector.shape_cast %reduce_sum3A_9 : vector<2048xf32> to vector<2048x1xf32>
    %slice3A_10 = vector.extract_strided_slice %get3A_7 {offsets = [0, 0], sizes = [1, 1], strides = [1, 1]} : vector<1x2xf32> to vector<1x1xf32>
    %add3A = vector.broadcast %slice3A_10 : vector<1x1xf32> to vector<2048x1xf32>
    %add3A_11 = arith.addf %broadcast_in_dim3A, %add3A : vector<2048x1xf32>
    %slice3A_12 = vector.extract_strided_slice %get3A_4 {offsets = [1, 0], sizes = [1, 64], strides = [1, 1]} : vector<2x64xf32> to vector<1x64xf32>
    %mul3A_13 = vector.broadcast %slice3A_12 : vector<1x64xf32> to vector<2048x64xf32>
    %mul3A_14 = arith.mulf %get3A_1, %mul3A_13 : vector<2048x64xf32>
    %reduce_sum3A_15 = arith.constant dense<0.000000e+00> : vector<2048xf32>
    %reduce_sum3A_16 = vector.multi_reduction <add>, %mul3A_14, %reduce_sum3A_15 [1] : vector<2048x64xf32> to vector<2048xf32>
    %broadcast_in_dim3A_17 = vector.shape_cast %reduce_sum3A_16 : vector<2048xf32> to vector<2048x1xf32>
    %slice3A_18 = vector.extract_strided_slice %get3A_7 {offsets = [0, 1], sizes = [1, 1], strides = [1, 1]} : vector<1x2xf32> to vector<1x1xf32>
    %add3A_19 = vector.broadcast %slice3A_18 : vector<1x1xf32> to vector<2048x1xf32>
    %add3A_20 = arith.addf %broadcast_in_dim3A_17, %add3A_19 : vector<2048x1xf32>
    %logistic3A = arith.negf %add3A_11 : vector<2048x1xf32>
    %logistic3A_21 = math.exp %logistic3A : vector<2048x1xf32>
    %logistic3A_22 = arith.constant 1.000000e+00 : f32
    %logistic3A_23 = vector.broadcast %logistic3A_22 : f32 to vector<2048x1xf32>
    %logistic3A_24 = arith.addf %logistic3A_23, %logistic3A_21 : vector<2048x1xf32>
    %logistic3A_25 = arith.divf %logistic3A_23, %logistic3A_24 : vector<2048x1xf32>
    %logistic3A_26 = arith.negf %add3A_20 : vector<2048x1xf32>
    %logistic3A_27 = math.exp %logistic3A_26 : vector<2048x1xf32>
    %logistic3A_28 = arith.constant 1.000000e+00 : f32
    %logistic3A_29 = vector.broadcast %logistic3A_28 : f32 to vector<2048x1xf32>
    %logistic3A_30 = arith.addf %logistic3A_29, %logistic3A_27 : vector<2048x1xf32>
    %logistic3A_31 = arith.divf %logistic3A_29, %logistic3A_30 : vector<2048x1xf32>
    %max3A = arith.maximumf %logistic3A_25, %logistic3A_31 : vector<2048x1xf32>
    %sub3A = arith.subf %logistic3A_25, %max3A : vector<2048x1xf32>
    %exp3A = math.exp %sub3A : vector<2048x1xf32>
    %sub3A_32 = arith.subf %logistic3A_31, %max3A : vector<2048x1xf32>
    %exp3A_33 = math.exp %sub3A_32 : vector<2048x1xf32>
    %add3A_34 = arith.addf %exp3A, %exp3A_33 : vector<2048x1xf32>
    %log3A = math.log %add3A_34 : vector<2048x1xf32>
    %add3A_35 = arith.addf %max3A, %log3A : vector<2048x1xf32>
    %sub3A_36 = arith.subf %logistic3A_25, %add3A_35 : vector<2048x1xf32>
    %sub3A_37 = arith.subf %logistic3A_31, %add3A_35 : vector<2048x1xf32>
    %concatenate3A = tpu.concatenate %sub3A_36, %sub3A_37 in 1 : vector<2048x1xf32>, vector<2048x1xf32> -> vector<2048x2xf32>
    %swap3A = arith.constant 0 : index
    %swap3A_38 = arith.constant 0 : index
    %swap3A_39 = vector.load %arg4[%swap3A, %swap3A_38] : memref<2048x2xf32, #tpu.memory_space<vmem>>, vector<2048x2xf32>
    tpu.vector_store %arg4[%swap3A, %swap3A_38], %concatenate3A {strides = array<i32>} : memref<2048x2xf32, #tpu.memory_space<vmem>>, vector<2048x2xf32>,
    return
  }
  func.func @transform_0(%arg0: i32) -> (i32, i32) {
    %c0_i32 = arith.constant 0 : i32
    %c0_i32_0 = arith.constant 0 : i32
    return %arg0, %c0_i32 : i32, i32
  }
  func.func @transform_1(%arg0: i32) -> (i32, i32) {
    %c0_i32 = arith.constant 0 : i32
    %c0_i32_0 = arith.constant 0 : i32
    %c0_i32_1 = arith.constant 0 : i32
    return %c0_i32, %c0_i32_0 : i32, i32
  }
  func.func @transform_2(%arg0: i32) -> (i32, i32) {
    %c0_i32 = arith.constant 0 : i32
    %c0_i32_0 = arith.constant 0 : i32
    %c0_i32_1 = arith.constant 0 : i32
    return %c0_i32, %c0_i32_0 : i32, i32
  }
  func.func @transform_3(%arg0: i32) -> (i32, i32) {
    %c0_i32 = arith.constant 0 : i32
    %c0_i32_0 = arith.constant 0 : i32
    return %arg0, %c0_i32 : i32, i32
  }
}

</mosaic_0001>

<sc_bundles>
// kernel: kernel.4.cloned.1.call-start
scs
__scs_entry_jumppad:
0x0: {  	(pc) =	sbr.rel $0x88, $3  }
0x1: {  	(tag) =	ssettag $0x0;
	lr =	simm.s32 $0x1  }
0x2: {  	[smem:$0x3F9D] =	sst lr;
	_ =	strace $0xD0000000  }
0x3: {  	_ = 	snop  }
0x4: {  	_ = 	snop  }
0x5: {  	_ = 	snop  }
0x6: {  	_ = 	snop  }
0x7: {  	_ = 	snop  }
__scs_overlays_trampoline_lowered:
0x8: {  	[smem:$0x3FAC] =	sst s0  }
0x9: {  	[smem:$0x3FAD] =	sst s1  }
0xa: {  	[smem:$0x3FAE] =	sst s2  }
0xb: {  	[smem:$0x3FAF] =	sst s3  }
0xc: {  	[smem:$0x3FB0] =	sst s4  }
0xd: {  	[smem:$0x3FB1] =	sst s5  }
0xe: {  	[smem:$0x3FB2] =	sst s6  }
0xf: {  	[smem:$0x3FB3] =	sst s7  }
0x10: {  	[smem:$0x3FB4] =	sst s8  }
0x11: {  	[smem:$0x3FB5] =	sst s9;
	s0 =	simm.s32 @!p0 $0x0  }
0x12: {  	s1 =	sld [smem:$0x3F9B];
	s0 =	simm.s32 @p0 $0x1  }
0x13: {  	[smem:$0x3FB6] =	sst s0;
	s0 =	simm.s32 @!p1 $0x0  }
0x14: {  	s2 =	sld [smem:$0x3F9A];
	s0 =	simm.s32 @p1 $0x1  }
0x15: {  	[smem:$0x3FB7] =	sst s0;
	s0 =	simm.s32 @!p2 $0x0  }
0x16: {  	s3 =	sld [smem:$0x3FDB];
	s0 =	simm.s32 @p2 $0x1  }
0x17: {  	s4 =	simm.s32 $0x1BF5;
	[smem:$0x3FB9] =	sst s0  }
0x18: {  	s0 =	sld [smem:$0x3F9C];
	_ =	swait.ge [sflag:s4], $0x0  }
0x19: {  	s7 =	sld [smem:$0x3F9D]  }
0x1a: {  	s8 =	sadd.s32 $0xFFFFE003, lr  }
0x1b: {  	s9 =	sadd.s32 $0xFFFFFEF7, lr;
	s5 =	simm.s32 $0xFFFFFFFF;
	p2 =	slt.u32 s8, $0xFFFFF086  }
0x1c: {  	p1 =	slt.u32 s9, $0xF7A;
	s5 =	simm.s32 @!p2 $0x0  }
0x1d: {  	s5 =	simm.s32 @p1 $0x1;
	p0 =	seq.s32 s7, s2  }
0x1e: {  	s7 =	smul.u32 @!p0 $0xF7A, s2;
	p2 =	seq.s32 @!p0 s5, $0x0  }
0x1f: {  	s9 =	smul.u32 $0xF7A, s1;
	s8 =	simm.s32 @!p0 $0x1BF5;
	p2 =	por !p2, p0  }
0x20: {  	[sflag:s8] =	ssyncset.s32 @!p0 $0xFFFFF086;
	s6 =	sadd.s32 @!p0 s3, s7;
	s7 =	simm.s32 @!p0 $0x108  }
0x21: {  	s3 =	sadd.s32 s3, s9;
	s6 =	sadd.s32 @!p0 $0x88, s6;
	s7 =	simm.s32 @p2 $0x1082  }
0x22: {  	[simem:s7], [sflag:s8] =	dma.local @!p0 [hbm:s6], $0xF7A  }
0x23: {  	s9 =	sor.u32 $0xD0000000, s2;
	s6 =	simm.s32 $0x108;
	_ =	swait.ge @!p0 [sflag:s8], $0x0  }
0x24: {  	s3 =	sadd.s32 $0x88, s3;
	s6 =	simm.s32 @!p1 $0x1082;
	[sflag:s4] =	ssyncset.s32 $0xFFFFF086  }
0x25: {  	[simem:s6], [sflag:s4] =	dma.local [hbm:s3], $0xF7A  }
0x26: {  	[smem:$0x3F9D] =	sst s1;
	(tag) =	ssettag s2;
	_ =	strace s9  }
0x27: {  	s1 =	sld [smem:$0x3FAD]  }
0x28: {  	s2 =	sld [smem:$0x3FAE]  }
0x29: {  	s4 =	sld [smem:$0x3FB0]  }
0x2a: {  	p0 =	seq.s32 s5, $0x0;
	s5 =	sld [smem:$0x3FB1]  }
0x2b: {  	s6 =	sld [smem:$0x3FB2]  }
0x2c: {  	s7 =	sld [smem:$0x3FB3]  }
0x2d: {  	s3 =	simm.s32 $0x108;
	s8 =	sld [smem:$0x3FB4]  }
0x2e: {  	s3 =	simm.s32 @!p0 $0x1082;
	s9 =	sld [smem:$0x3FB5]  }
0x2f: {  	lr =	sadd.s32 s0, s3;
	s0 =	sld [smem:$0x3FAC]  }
0x30: {  	s3 =	sld [smem:$0x3FAF]  }
0x31: {  	[smem:$0x3FB8] =	sst s10  }
0x32: {  	s10 =	sld [smem:$0x3FB6];
	_ =	sdelay $0x3  }
0x33: {  	p0 =	seq.s32 s10, $0x1;
	s10 =	sld [smem:$0x3FB8];
	_ =	sdelay $0x3  }
0x34: {  	[smem:$0x3FB8] =	sst s10  }
0x35: {  	s10 =	sld [smem:$0x3FB7];
	_ =	sdelay $0x3  }
0x36: {  	p1 =	seq.s32 s10, $0x1;
	s10 =	sld [smem:$0x3FB8];
	_ =	sdelay $0x3  }
0x37: {  	[smem:$0x3FB8] =	sst s10  }
0x38: {  	s10 =	sld [smem:$0x3FB9]  }
0x39: {  	_ = 	snop;
	(pc) =	sbr.ind lr, $3  }
0x3a: {  	_ = 	snop  }
0x3b: {  	_ = 	snop  }
0x3c: {  	p2 =	seq.s32 s10, $0x1;
	s10 =	sld [smem:$0x3FB8]  }
0x3d: {  	_ =	shalt  }
0x3e: {  	_ =	shalt  }
0x3f: {  	_ =	shalt  }
0x40: {  	_ =	shalt  }
0x41: {  	_ =	shalt  }
0x42: {  	_ =	shalt  }
0x43: {  	_ =	shalt  }
0x44: {  	_ =	shalt  }
0x45: {  	_ =	shalt  }
0x46: {  	_ =	shalt  }
0x47: {  	_ =	shalt  }
0x48: {  	_ =	shalt  }
0x49: {  	_ =	shalt  }
0x4a: {  	_ =	shalt  }
0x4b: {  	_ =	shalt  }
0x4c: {  	_ =	shalt  }
0x4d: {  	_ =	shalt  }
0x4e: {  	_ =	shalt  }
0x4f: {  	_ =	shalt  }
0x50: {  	_ =	shalt  }
0x51: {  	_ =	shalt  }
0x52: {  	_ =	shalt  }
0x53: {  	_ =	shalt  }
0x54: {  	_ =	shalt  }
0x55: {  	_ =	shalt  }
0x56: {  	_ =	shalt  }
0x57: {  	_ =	shalt  }
0x58: {  	_ =	shalt  }
0x59: {  	_ =	shalt  }
0x5a: {  	_ =	shalt  }
0x5b: {  	_ =	shalt  }
0x5c: {  	_ =	shalt  }
0x5d: {  	_ =	shalt  }
0x5e: {  	_ =	shalt  }
0x5f: {  	_ =	shalt  }
0x60: {  	_ =	shalt  }
0x61: {  	_ =	shalt  }
0x62: {  	_ =	shalt  }
0x63: {  	_ =	shalt  }
0x64: {  	_ =	shalt  }
0x65: {  	_ =	shalt  }
0x66: {  	_ =	shalt  }
0x67: {  	_ =	shalt  }
0x68: {  	_ =	shalt  }
0x69: {  	_ =	shalt  }
0x6a: {  	_ =	shalt  }
0x6b: {  	_ =	shalt  }
0x6c: {  	_ =	shalt  }
0x6d: {  	_ =	shalt  }
0x6e: {  	_ =	shalt  }
0x6f: {  	_ =	shalt  }
0x70: {  	_ =	shalt  }
0x71: {  	_ =	shalt  }
0x72: {  	_ =	shalt  }
0x73: {  	_ =	shalt  }
0x74: {  	_ =	shalt  }
0x75: {  	_ =	shalt  }
0x76: {  	_ =	shalt  }
0x77: {  	_ =	shalt  }
0x78: {  	_ =	shalt  }
0x79: {  	_ =	shalt  }
0x7a: {  	_ =	shalt  }
0x7b: {  	_ =	shalt  }
0x7c: {  	_ =	shalt  }
0x7d: {  	_ =	shalt  }
0x7e: {  	_ =	shalt  }
0x7f: {  	_ =	shalt  }
0x80: {  	_ =	shalt  }
0x81: {  	_ =	shalt  }
0x82: {  	_ =	shalt  }
0x83: {  	_ =	shalt  }
0x84: {  	_ =	shalt  }
0x85: {  	_ =	shalt  }
0x86: {  	_ =	shalt  }
0x87: {  	_ =	shalt  }
.Lfunc_end0:
.L_simem_size_0:
called_computation_lowered:
.L_overlay_start_0:
0x88: {  	s2 =	sld [smem:$0x3FD9]  }
0x89: {  	s3 =	sld [smem:$0x3FFE];
	_ =	sdelay $0x1  }
0x8a: {  	s1 =	srdreg.scid  }
0x8b: {  	s0 =	sand.u32 $0x1, s1  }
0x8c: {  	s16 =	sshll.u32 s0, $0xA;
	s2 =	sadd.s32 s3, s2  }
0x8d: {  	s2 =	sadd.s32 s2, s16  }
0x8e: {  	[smem:$0x3FC4] =	sst s2  }
0x8f: {  	_ = 	snop  }
0x90: {  	(tm) =	ssettm $0x1  }
0x91: {  	s17 =	sld [smem:$0x3FFB];
	_ =	sdelay $0x3  }
0x92: {  	_ =	strace s17  }
0x93: {  	s2 =	sld [smem:$0x3FFC];
	_ =	sdelay $0x3  }
0x94: {  	_ =	strace s2  }
0x95: {  	s2 =	sld [smem:$0x3FFD];
	_ =	sdelay $0x3  }
0x96: {  	_ =	strace s2  }
0x97: {  	_ =	strace $0x8FFFFFFF  }
0x98: {  	s18 =	sld [smem:$0x3FDB];
	_ =	sdelay $0x1  }
0x99: {  	s19 =	simm.s32 $_scs_section_size  }
0x9a: {  	s4 =	simm.s32 $_size__tile_overlayer_lowered;
	s5 =	simm.s32 $_tile_overlayer_lowered  }
0x9b: {  	s22 =	simm.s32 $0x1BFF;
	s21 =	sshll.u32 s5, $0x1;
	s2 =	sadd.s32 s19, s18  }
0x9c: {  	s6 =	simm.s32 $0x0;
	s20 =	sshll.u32 s4, $0x1;
	s4 =	sadd.s32 s21, s2  }
0x9d: {  	[timem:s6], [sflag:s22] =	dma.local [hbm:s4], s20  }
0x9e: {  	_ =	swait.ge [sflag:s22], s20  }
0x9f: {  	s3 =	ssub.s32 $0x0, s20;
	[sflag:s22] =	ssyncset.done $0x0  }
0xa0: {  	[sflag:s22] =	ssyncadd.s32 s3;
	_ =	sdelay $0x1  }
0xa1: {  	s23 =	simm.s32 $0x1B8B  }
0xa2: {  	_ =	swait.ge [sflag:s23], $0x1  }
0xa3: {  	[sflag:s23] =	ssyncset.done $0x0  }
0xa4: {  	s25 =	simm.s32 $0x1B8E;
	s24 =	sld [smem:$0x3FFE];
	[sflag:s23] =	ssyncadd.s32 $0xFFFFFFFF  }
0xa5: {  	s26 =	simm.s32 $execute0_lowered;
	[smem:$0x3FD2] =	sst s25  }
0xa6: {  	s4 =	sshll.u32 s26, $0x1;
	_ =	strace $0x80000046;
	[dreg:$0x1] =	wrdreg $0xFFFFFFFF  }
0xa7: {  	s28 =	simm.s32 $_size_execute0_lowered;
	s2 =	sadd.s32 s2, s4;
	[dreg:$0x0] =	wrdreg $0x0  }
0xa8: {  	s4 =	sshll.u32 s28, $0x1;
	[dreg:$0x2] =	wrdreg s2  }
0xa9: {  	[dreg:$0x3] =	wrdreg s4  }
0xaa: {  	[dreg:$0x4] =	wrdreg $0xC0  }
0xab: {  	_ =	task [dreg:s6], $0x5FFFF  }
0xac: {  	[dreg:$0x1] =	wrdreg $0xFFFFFFFF  }
0xad: {  	[dreg:$0x0] =	wrdreg $0x60  }
0xae: {  	[dreg:$0x2] =	wrdreg s24  }
0xaf: {  	[dreg:$0x3] =	wrdreg $0x9  }
0xb0: {  	_ =	task.clear_ibuf [dreg:s6], $0x4FFFF;
	_ =	strace $0x90000046  }
0xb1: {  	s29 =	simm.s32 $0x9;
	_ =	strace $0x80000048  }
0xb2: {  	_ =	swait.ge [sflag:s29], $0x1  }
0xb3: {  	[sflag:s29] =	ssyncadd.s32 $0xFFFFFFFF  }
0xb4: {  	_ =	strace $0x90000048  }
0xb5: {  	_ =	sfence  }
0xb6: {  	s30 =	sld [smem:$0x0];
	_ =	sdelay $0x2  }
0xb7: {  	s31 =	sshll.u32 s1, $0xD;
	s1 =	sshrl.u32 s1, $0x2  }
0xb8: {  	s3 =	sand.u32 $0x4000, s31;
	s1 =	sadd.s32 s1, s30  }
0xb9: {  	s0 =	sor.u32 s3, s0;
	s1 =	sshll.u32 s1, $0x11  }
0xba: {  	s0 =	sor.u32 s1, s0  }
0xbb: {  	s0 =	sadd.s32 $0x8F2B, s0  }
0xbc: {  	[sflag:s0] =	ssyncadd.remote.s32 $0x1  }
0xbd: {  	_ =	sfence.sel $0xFFFF  }
0xbe: {  	[dreg:$0x0] =	wrdreg $0xFFFFFFFF;
	(pc) =	sbr.abs _section_cstart, $3  }
0xbf: {  	[dreg:$0x1] =	wrdreg $0xFFFFFFFF  }
0xc0: {  	_ =	task.clear_ibuf [dreg:s6], $0x2FFFF;
	_ =	strace $0x9FFFFFFF  }
0xc1: {  	(tm) =	ssettm $0x7FFFFFFF  }
tec
execute0_lowered:
.L_overlay_start_1:
0x0: {  	(tag) =	ssettag $0x1  }
0x1: {  	s0 =	rddreg [dreg:$0x0];
	s1 =	srdreg.scid  }
0x2: {  	s3 =	stileid.u32;
	s2 =	simm.s32 $0x0;
	s7 =	simm.s32 $0x200  }
0x3: {  	s8 =	simm.s32 $0x4000;
	s9 =	simm.s32 $0x2;
	s10 =	simm.s32 $0x6400  }
0x4: {  	s19 =	simm.s32 $0x4200;
	s20 =	simm.s32 $0x4400;
	s21 =	simm.s32 $0x4600  }
0x5: {  	s22 =	simm.s32 $0x4800;
	s23 =	simm.s32 $0x4A00;
	s24 =	simm.s32 $0x4C00  }
0x6: {  	s25 =	simm.s32 $0x4E00;
	s28 =	simm.s32 $0x5200;
	s29 =	simm.s32 $0x5400  }
0x7: {  	s30 =	simm.s32 $0x5600;
	s31 =	simm.s32 $0x5800;
	s11 =	simm.s32 $0x5E00  }
0x8: {  	s12 =	simm.s32 $0x6000;
	s13 =	simm.s32 $0x6200;
	s14 =	simm.s32 $0x1  }
0x9: {  	s15 =	simm.s32 $0x0;
	s1 =	sand.u32 $0x1, s1;
	s3 =	sshll.u32 s3, $0xA  }
0xa: {  	[smem:$0x7FF] =	sst s2;
	s4 =	sshll.u32 s1, $0x9;
	s1 =	ssub.s32 $0x2, s1  }
0xb: {  	_ =	strace $0x80000047;
	s3 =	sor.u32 s4, s3;
	s26 =	sshrl.u32 s1, $0x1  }
0xc: {  	s4 =	sshrl.u32 s3, $0x3;
	s5 =	sshll.u32 s3, $0x3;
	s3 =	sadd.s32 $0xF42E00, s0  }
0xd: {  	s1 =	ssub.s32 s1, s26;
	s26 =	simm.s32 $0x5000;
	s4 =	sadd.s32 s4, s0  }
0xe: {  	s0 =	sadd.s32 s5, s0;
	s6 =	smax.u32 s1, $0x1;
	s1 =	simm.s32 $0x5C00  }
0xf: {  	v0 =	vimm.f32 $0.0e+00;
	s4 =	sadd.s32 $0xA00, s4;
	s5 =	sadd.s32 $0x19A00, s0;
	s0 =	simm.s32 $0x5A00  }
.LBB2_1:
0x10: {  	[tilespmem:s2], [sflag:$0x2] =	stream.strided.gather [hbm4b:s4+s7], $0x6400, s8, s7, $0x38;
	[tilespmem:$0xE400] =	vst v63  }
0x11: {  	_ =	swait.ge [sflag:s9], $0x6400  }
0x12: {  	[sflag:s9] =	ssyncset.done $0x0  }
0x13: {  	s17 =	simm.s32 $0x100;
	s16 =	simm.s32 $0x0;
	[sflag:s9] =	ssyncadd.s32 $0xFFFF9C00  }
.LBB2_2:
0x14: {  	p0 =	sne.s32 s17, $0x1FF00;
	[tilespmem:s16+$0x6430] =	vst v0;
	s18 =	smov.u32 s17;
	s17 =	sadd.s32 $0x100, s17  }
.Ltmp0:
0x15: {  	[tilespmem:s16+$0x6420] =	vst v0;
	(pc) =	sbr.rel @p0 .LBB2_2-.Ltmp0, $3  }
0x16: {  	[tilespmem:s16+$0x6400] =	vst v0  }
0x17: {  	[tilespmem:s16+$0x6410] =	vst v0;
	_ =	sdelay $0x1  }
0x18: {  	s16 =	sshra.s32 s18, $0x2  }
0x19: {  	[tilespmem:s16+$0x6430] =	vst v0  }
0x1a: {  	[tilespmem:s16+$0x6420] =	vst v0  }
0x1b: {  	[tilespmem:s16+$0x6400] =	vst v0  }
0x1c: {  	[tilespmem:s16+$0x6410] =	vst v0  }
0x1d: {  	[tilespmem:s10], [sflag:$0x1] =	stream.indirect.gather.add.f32 [hbm:s3], $0x40, s2, s7, $0xb8;
	[tilespmem:$0xE400] =	vst v63  }
0x1e: {  	_ = 	snop  }
0x1f: {  	[tilespmem:s10], [sflag:$0x1] =	stream.indirect.gather.add.f32 [hbm:s3], $0x40, s7, s7, $0xb8;
	[tilespmem:$0xE400] =	vst v63  }
0x20: {  	s17 =	simm.s32 $0x400  }
0x21: {  	[tilespmem:s10], [sflag:$0x1] =	stream.indirect.gather.add.f32 [hbm:s3], $0x40, s17, s7, $0xb8;
	[tilespmem:$0xE400] =	vst v63  }
0x22: {  	s18 =	simm.s32 $0x600  }
0x23: {  	[tilespmem:s10], [sflag:$0x1] =	stream.indirect.gather.add.f32 [hbm:s3], $0x40, s18, s7, $0xb8;
	[tilespmem:$0xE400] =	vst v63  }
0x24: {  	s17 =	simm.s32 $0x800  }
0x25: {  	[tilespmem:s10], [sflag:$0x1] =	stream.indirect.gather.add.f32 [hbm:s3], $0x40, s17, s7, $0xb8;
	[tilespmem:$0xE400] =	vst v63  }
0x26: {  	s18 =	simm.s32 $0xA00  }
0x27: {  	[tilespmem:s10], [sflag:$0x1] =	stream.indirect.gather.add.f32 [hbm:s3], $0x40, s18, s7, $0xb8;
	[tilespmem:$0xE400] =	vst v63  }
0x28: {  	s17 =	simm.s32 $0xC00  }
0x29: {  	[tilespmem:s10], [sflag:$0x1] =	stream.indirect.gather.add.f32 [hbm:s3], $0x40, s17, s7, $0xb8;
	[tilespmem:$0xE400] =	vst v63  }
0x2a: {  	s18 =	simm.s32 $0xE00  }
0x2b: {  	[tilespmem:s10], [sflag:$0x1] =	stream.indirect.gather.add.f32 [hbm:s3], $0x40, s18, s7, $0xb8;
	[tilespmem:$0xE400] =	vst v63  }
0x2c: {  	s17 =	simm.s32 $0x1000  }
0x2d: {  	[tilespmem:s10], [sflag:$0x1] =	stream.indirect.gather.add.f32 [hbm:s3], $0x40, s17, s7, $0xb8;
	[tilespmem:$0xE400] =	vst v63  }
0x2e: {  	s18 =	simm.s32 $0x1200  }
0x2f: {  	[tilespmem:s10], [sflag:$0x1] =	stream.indirect.gather.add.f32 [hbm:s3], $0x40, s18, s7, $0xb8;
	[tilespmem:$0xE400] =	vst v63  }
0x30: {  	s17 =	simm.s32 $0x1400  }
0x31: {  	[tilespmem:s10], [sflag:$0x1] =	stream.indirect.gather.add.f32 [hbm:s3], $0x40, s17, s7, $0xb8;
	[tilespmem:$0xE400] =	vst v63  }
0x32: {  	s18 =	simm.s32 $0x1600  }
0x33: {  	[tilespmem:s10], [sflag:$0x1] =	stream.indirect.gather.add.f32 [hbm:s3], $0x40, s18, s7, $0xb8;
	[tilespmem:$0xE400] =	vst v63  }
0x34: {  	s17 =	simm.s32 $0x1800  }
0x35: {  	[tilespmem:s10], [sflag:$0x1] =	stream.indirect.gather.add.f32 [hbm:s3], $0x40, s17, s7, $0xb8;
	[tilespmem:$0xE400] =	vst v63  }
0x36: {  	s18 =	simm.s32 $0x1A00  }
0x37: {  	[tilespmem:s10], [sflag:$0x1] =	stream.indirect.gather.add.f32 [hbm:s3], $0x40, s18, s7, $0xb8;
	[tilespmem:$0xE400] =	vst v63  }
0x38: {  	s17 =	simm.s32 $0x1C00  }
0x39: {  	[tilespmem:s10], [sflag:$0x1] =	stream.indirect.gather.add.f32 [hbm:s3], $0x40, s17, s7, $0xb8;
	[tilespmem:$0xE400] =	vst v63  }
0x3a: {  	s18 =	simm.s32 $0x1E00  }
0x3b: {  	[tilespmem:s10], [sflag:$0x1] =	stream.indirect.gather.add.f32 [hbm:s3], $0x40, s18, s7, $0xb8;
	[tilespmem:$0xE400] =	vst v63  }
0x3c: {  	s17 =	simm.s32 $0x2000  }
0x3d: {  	[tilespmem:s10], [sflag:$0x1] =	stream.indirect.gather.add.f32 [hbm:s3], $0x40, s17, s7, $0xb8;
	[tilespmem:$0xE400] =	vst v63  }
0x3e: {  	s18 =	simm.s32 $0x2200  }
0x3f: {  	[tilespmem:s10], [sflag:$0x1] =	stream.indirect.gather.add.f32 [hbm:s3], $0x40, s18, s7, $0xb8;
	[tilespmem:$0xE400] =	vst v63  }
0x40: {  	s17 =	simm.s32 $0x2400  }
0x41: {  	[tilespmem:s10], [sflag:$0x1] =	stream.indirect.gather.add.f32 [hbm:s3], $0x40, s17, s7, $0xb8;
	[tilespmem:$0xE400] =	vst v63  }
0x42: {  	s18 =	simm.s32 $0x2600  }
0x43: {  	[tilespmem:s10], [sflag:$0x1] =	stream.indirect.gather.add.f32 [hbm:s3], $0x40, s18, s7, $0xb8;
	[tilespmem:$0xE400] =	vst v63  }
0x44: {  	s17 =	simm.s32 $0x2800  }
0x45: {  	[tilespmem:s10], [sflag:$0x1] =	stream.indirect.gather.add.f32 [hbm:s3], $0x40, s17, s7, $0xb8;
	[tilespmem:$0xE400] =	vst v63  }
0x46: {  	s18 =	simm.s32 $0x2A00  }
0x47: {  	[tilespmem:s10], [sflag:$0x1] =	stream.indirect.gather.add.f32 [hbm:s3], $0x40, s18, s7, $0xb8;
	[tilespmem:$0xE400] =	vst v63  }
0x48: {  	s17 =	simm.s32 $0x2C00  }
0x49: {  	[tilespmem:s10], [sflag:$0x1] =	stream.indirect.gather.add.f32 [hbm:s3], $0x40, s17, s7, $0xb8;
	[tilespmem:$0xE400] =	vst v63  }
0x4a: {  	s18 =	simm.s32 $0x2E00  }
0x4b: {  	[tilespmem:s10], [sflag:$0x1] =	stream.indirect.gather.add.f32 [hbm:s3], $0x40, s18, s7, $0xb8;
	[tilespmem:$0xE400] =	vst v63  }
0x4c: {  	s17 =	simm.s32 $0x3000  }
0x4d: {  	[tilespmem:s10], [sflag:$0x1] =	stream.indirect.gather.add.f32 [hbm:s3], $0x40, s17, s7, $0xb8;
	[tilespmem:$0xE400] =	vst v63  }
0x4e: {  	s18 =	simm.s32 $0x3200  }
0x4f: {  	[tilespmem:s10], [sflag:$0x1] =	stream.indirect.gather.add.f32 [hbm:s3], $0x40, s18, s7, $0xb8;
	[tilespmem:$0xE400] =	vst v63  }
0x50: {  	s17 =	simm.s32 $0x3400  }
0x51: {  	[tilespmem:s10], [sflag:$0x1] =	stream.indirect.gather.add.f32 [hbm:s3], $0x40, s17, s7, $0xb8;
	[tilespmem:$0xE400] =	vst v63  }
0x52: {  	s18 =	simm.s32 $0x3600  }
0x53: {  	[tilespmem:s10], [sflag:$0x1] =	stream.indirect.gather.add.f32 [hbm:s3], $0x40, s18, s7, $0xb8;
	[tilespmem:$0xE400] =	vst v63  }
0x54: {  	s17 =	simm.s32 $0x3800  }
0x55: {  	[tilespmem:s10], [sflag:$0x1] =	stream.indirect.gather.add.f32 [hbm:s3], $0x40, s17, s7, $0xb8;
	[tilespmem:$0xE400] =	vst v63  }
0x56: {  	s18 =	simm.s32 $0x3A00  }
0x57: {  	[tilespmem:s10], [sflag:$0x1] =	stream.indirect.gather.add.f32 [hbm:s3], $0x40, s18, s7, $0xb8;
	[tilespmem:$0xE400] =	vst v63  }
0x58: {  	s17 =	simm.s32 $0x3C00  }
0x59: {  	[tilespmem:s10], [sflag:$0x1] =	stream.indirect.gather.add.f32 [hbm:s3], $0x40, s17, s7, $0xb8;
	[tilespmem:$0xE400] =	vst v63  }
0x5a: {  	s18 =	simm.s32 $0x3E00  }
0x5b: {  	[tilespmem:s10], [sflag:$0x1] =	stream.indirect.gather.add.f32 [hbm:s3], $0x40, s18, s7, $0xb8;
	[tilespmem:$0xE400] =	vst v63  }
0x5c: {  	_ = 	snop  }
0x5d: {  	[tilespmem:s10], [sflag:$0x1] =	stream.indirect.gather.add.f32 [hbm:s3], $0x40, s8, s7, $0xb8;
	[tilespmem:$0xE400] =	vst v63  }
0x5e: {  	_ = 	snop  }
0x5f: {  	[tilespmem:s10], [sflag:$0x1] =	stream.indirect.gather.add.f32 [hbm:s3], $0x40, s19, s7, $0xb8;
	[tilespmem:$0xE400] =	vst v63  }
0x60: {  	_ = 	snop  }
0x61: {  	[tilespmem:s10], [sflag:$0x1] =	stream.indirect.gather.add.f32 [hbm:s3], $0x40, s20, s7, $0xb8;
	[tilespmem:$0xE400] =	vst v63  }
0x62: {  	_ = 	snop  }
0x63: {  	[tilespmem:s10], [sflag:$0x1] =	stream.indirect.gather.add.f32 [hbm:s3], $0x40, s21, s7, $0xb8;
	[tilespmem:$0xE400] =	vst v63  }
0x64: {  	_ = 	snop  }
0x65: {  	[tilespmem:s10], [sflag:$0x1] =	stream.indirect.gather.add.f32 [hbm:s3], $0x40, s22, s7, $0xb8;
	[tilespmem:$0xE400] =	vst v63  }
0x66: {  	_ = 	snop  }
0x67: {  	[tilespmem:s10], [sflag:$0x1] =	stream.indirect.gather.add.f32 [hbm:s3], $0x40, s23, s7, $0xb8;
	[tilespmem:$0xE400] =	vst v63  }
0x68: {  	_ = 	snop  }
0x69: {  	[tilespmem:s10], [sflag:$0x1] =	stream.indirect.gather.add.f32 [hbm:s3], $0x40, s24, s7, $0xb8;
	[tilespmem:$0xE400] =	vst v63  }
0x6a: {  	_ = 	snop  }
0x6b: {  	[tilespmem:s10], [sflag:$0x1] =	stream.indirect.gather.add.f32 [hbm:s3], $0x40, s25, s7, $0xb8;
	[tilespmem:$0xE400] =	vst v63  }
0x6c: {  	_ = 	snop  }
0x6d: {  	[tilespmem:s10], [sflag:$0x1] =	stream.indirect.gather.add.f32 [hbm:s3], $0x40, s26, s7, $0xb8;
	[tilespmem:$0xE400] =	vst v63  }
0x6e: {  	_ = 	snop  }
0x6f: {  	[tilespmem:s10], [sflag:$0x1] =	stream.indirect.gather.add.f32 [hbm:s3], $0x40, s28, s7, $0xb8;
	[tilespmem:$0xE400] =	vst v63  }
0x70: {  	_ = 	snop  }
0x71: {  	[tilespmem:s10], [sflag:$0x1] =	stream.indirect.gather.add.f32 [hbm:s3], $0x40, s29, s7, $0xb8;
	[tilespmem:$0xE400] =	vst v63  }
0x72: {  	_ = 	snop  }
0x73: {  	[tilespmem:s10], [sflag:$0x1] =	stream.indirect.gather.add.f32 [hbm:s3], $0x40, s30, s7, $0xb8;
	[tilespmem:$0xE400] =	vst v63  }
0x74: {  	_ = 	snop  }
0x75: {  	[tilespmem:s10], [sflag:$0x1] =	stream.indirect.gather.add.f32 [hbm:s3], $0x40, s31, s7, $0xb8;
	[tilespmem:$0xE400] =	vst v63  }
0x76: {  	_ = 	snop  }
0x77: {  	[tilespmem:s10], [sflag:$0x1] =	stream.indirect.gather.add.f32 [hbm:s3], $0x40, s0, s7, $0xb8;
	[tilespmem:$0xE400] =	vst v63  }
0x78: {  	_ = 	snop  }
0x79: {  	[tilespmem:s10], [sflag:$0x1] =	stream.indirect.gather.add.f32 [hbm:s3], $0x40, s1, s7, $0xb8;
	[tilespmem:$0xE400] =	vst v63  }
0x7a: {  	_ = 	snop  }
0x7b: {  	[tilespmem:s10], [sflag:$0x1] =	stream.indirect.gather.add.f32 [hbm:s3], $0x40, s11, s7, $0xb8;
	[tilespmem:$0xE400] =	vst v63  }
0x7c: {  	_ = 	snop  }
0x7d: {  	[tilespmem:s10], [sflag:$0x1] =	stream.indirect.gather.add.f32 [hbm:s3], $0x40, s12, s7, $0xb8;
	[tilespmem:$0xE400] =	vst v63  }
0x7e: {  	_ = 	snop  }
0x7f: {  	[tilespmem:s10], [sflag:$0x1] =	stream.indirect.gather.add.f32 [hbm:s3], $0x40, s13, s7, $0xb8;
	[tilespmem:$0xE400] =	vst v63  }
0x80: {  	_ =	swait.ge [sflag:s14], $0x8000  }
0x81: {  	[sflag:s14] =	ssyncset.done $0x0  }
0x82: {  	[sflag:s14] =	ssyncadd.s32 $0xFFFF8000  }
0x83: {  	_ =	swait.ge [sflag:s14], $0x8000  }
0x84: {  	[sflag:s14] =	ssyncset.done $0x0  }
0x85: {  	[sflag:s14] =	ssyncadd.s32 $0xFFFF8000  }
0x86: {  	_ =	swait.ge [sflag:s14], $0x8000  }
0x87: {  	[sflag:s14] =	ssyncset.done $0x0  }
0x88: {  	[sflag:s14] =	ssyncadd.s32 $0xFFFF8000  }
0x89: {  	_ =	swait.ge [sflag:s14], $0x8000  }
0x8a: {  	[sflag:s14] =	ssyncset.done $0x0  }
0x8b: {  	[sflag:s14] =	ssyncadd.s32 $0xFFFF8000  }
0x8c: {  	_ =	swait.ge [sflag:s14], $0x8000  }
0x8d: {  	[sflag:s14] =	ssyncset.done $0x0  }
0x8e: {  	[sflag:s14] =	ssyncadd.s32 $0xFFFF8000  }
0x8f: {  	_ =	swait.ge [sflag:s14], $0x8000  }
0x90: {  	[sflag:s14] =	ssyncset.done $0x0  }
0x91: {  	[sflag:s14] =	ssyncadd.s32 $0xFFFF8000  }
0x92: {  	_ =	swait.ge [sflag:s14], $0x8000  }
0x93: {  	[sflag:s14] =	ssyncset.done $0x0  }
0x94: {  	[sflag:s14] =	ssyncadd.s32 $0xFFFF8000  }
0x95: {  	_ =	swait.ge [sflag:s14], $0x8000  }
0x96: {  	[sflag:s14] =	ssyncset.done $0x0  }
0x97: {  	[sflag:s14] =	ssyncadd.s32 $0xFFFF8000  }
0x98: {  	_ =	swait.ge [sflag:s14], $0x8000  }
0x99: {  	[sflag:s14] =	ssyncset.done $0x0  }
0x9a: {  	[sflag:s14] =	ssyncadd.s32 $0xFFFF8000  }
0x9b: {  	_ =	swait.ge [sflag:s14], $0x8000  }
0x9c: {  	[sflag:s14] =	ssyncset.done $0x0  }
0x9d: {  	[sflag:s14] =	ssyncadd.s32 $0xFFFF8000  }
0x9e: {  	_ =	swait.ge [sflag:s14], $0x8000  }
0x9f: {  	[sflag:s14] =	ssyncset.done $0x0  }
0xa0: {  	[sflag:s14] =	ssyncadd.s32 $0xFFFF8000  }
0xa1: {  	_ =	swait.ge [sflag:s14], $0x8000  }
0xa2: {  	[sflag:s14] =	ssyncset.done $0x0  }
0xa3: {  	[sflag:s14] =	ssyncadd.s32 $0xFFFF8000  }
0xa4: {  	_ =	swait.ge [sflag:s14], $0x8000  }
0xa5: {  	[sflag:s14] =	ssyncset.done $0x0  }
0xa6: {  	[sflag:s14] =	ssyncadd.s32 $0xFFFF8000  }
0xa7: {  	_ =	swait.ge [sflag:s14], $0x8000  }
0xa8: {  	[sflag:s14] =	ssyncset.done $0x0  }
0xa9: {  	[sflag:s14] =	ssyncadd.s32 $0xFFFF8000  }
0xaa: {  	_ =	swait.ge [sflag:s14], $0x8000  }
0xab: {  	[sflag:s14] =	ssyncset.done $0x0  }
0xac: {  	[sflag:s14] =	ssyncadd.s32 $0xFFFF8000  }
0xad: {  	_ =	swait.ge [sflag:s14], $0x8000  }
0xae: {  	[sflag:s14] =	ssyncset.done $0x0  }
0xaf: {  	[sflag:s14] =	ssyncadd.s32 $0xFFFF8000  }
0xb0: {  	_ =	swait.ge [sflag:s14], $0x8000  }
0xb1: {  	[sflag:s14] =	ssyncset.done $0x0  }
0xb2: {  	[sflag:s14] =	ssyncadd.s32 $0xFFFF8000  }
0xb3: {  	_ =	swait.ge [sflag:s14], $0x8000  }
0xb4: {  	[sflag:s14] =	ssyncset.done $0x0  }
0xb5: {  	[sflag:s14] =	ssyncadd.s32 $0xFFFF8000  }
0xb6: {  	_ =	swait.ge [sflag:s14], $0x8000  }
0xb7: {  	[sflag:s14] =	ssyncset.done $0x0  }
0xb8: {  	[sflag:s14] =	ssyncadd.s32 $0xFFFF8000  }
0xb9: {  	_ =	swait.ge [sflag:s14], $0x8000  }
0xba: {  	[sflag:s14] =	ssyncset.done $0x0  }
0xbb: {  	[sflag:s14] =	ssyncadd.s32 $0xFFFF8000  }
0xbc: {  	_ =	swait.ge [sflag:s14], $0x8000  }
0xbd: {  	[sflag:s14] =	ssyncset.done $0x0  }
0xbe: {  	[sflag:s14] =	ssyncadd.s32 $0xFFFF8000  }
0xbf: {  	_ =	swait.ge [sflag:s14], $0x8000  }
0xc0: {  	[sflag:s14] =	ssyncset.done $0x0  }
0xc1: {  	[sflag:s14] =	ssyncadd.s32 $0xFFFF8000  }
0xc2: {  	_ =	swait.ge [sflag:s14], $0x8000  }
0xc3: {  	[sflag:s14] =	ssyncset.done $0x0  }
0xc4: {  	[sflag:s14] =	ssyncadd.s32 $0xFFFF8000  }
0xc5: {  	_ =	swait.ge [sflag:s14], $0x8000  }
0xc6: {  	[sflag:s14] =	ssyncset.done $0x0  }
0xc7: {  	[sflag:s14] =	ssyncadd.s32 $0xFFFF8000  }
0xc8: {  	_ =	swait.ge [sflag:s14], $0x8000  }
0xc9: {  	[sflag:s14] =	ssyncset.done $0x0  }
0xca: {  	[sflag:s14] =	ssyncadd.s32 $0xFFFF8000  }
0xcb: {  	_ =	swait.ge [sflag:s14], $0x8000  }
0xcc: {  	[sflag:s14] =	ssyncset.done $0x0  }
0xcd: {  	[sflag:s14] =	ssyncadd.s32 $0xFFFF8000  }
0xce: {  	_ =	swait.ge [sflag:s14], $0x8000  }
0xcf: {  	[sflag:s14] =	ssyncset.done $0x0  }
0xd0: {  	[sflag:s14] =	ssyncadd.s32 $0xFFFF8000  }
0xd1: {  	_ =	swait.ge [sflag:s14], $0x8000  }
0xd2: {  	[sflag:s14] =	ssyncset.done $0x0  }
0xd3: {  	[sflag:s14] =	ssyncadd.s32 $0xFFFF8000  }
0xd4: {  	_ =	swait.ge [sflag:s14], $0x8000  }
0xd5: {  	[sflag:s14] =	ssyncset.done $0x0  }
0xd6: {  	[sflag:s14] =	ssyncadd.s32 $0xFFFF8000  }
0xd7: {  	_ =	swait.ge [sflag:s14], $0x8000  }
0xd8: {  	[sflag:s14] =	ssyncset.done $0x0  }
0xd9: {  	[sflag:s14] =	ssyncadd.s32 $0xFFFF8000  }
0xda: {  	_ =	swait.ge [sflag:s14], $0x8000  }
0xdb: {  	[sflag:s14] =	ssyncset.done $0x0  }
0xdc: {  	[sflag:s14] =	ssyncadd.s32 $0xFFFF8000  }
0xdd: {  	_ =	swait.ge [sflag:s14], $0x8000  }
0xde: {  	[sflag:s14] =	ssyncset.done $0x0  }
0xdf: {  	[sflag:s14] =	ssyncadd.s32 $0xFFFF8000  }
0xe0: {  	_ =	swait.ge [sflag:s14], $0x8000  }
0xe1: {  	[sflag:s14] =	ssyncset.done $0x0  }
0xe2: {  	[sflag:s14] =	ssyncadd.s32 $0xFFFF8000  }
0xe3: {  	_ =	swait.ge [sflag:s14], $0x8000  }
0xe4: {  	[sflag:s14] =	ssyncset.done $0x0  }
0xe5: {  	[sflag:s14] =	ssyncadd.s32 $0xFFFF8000  }
0xe6: {  	_ =	swait.ge [sflag:s14], $0x8000  }
0xe7: {  	[sflag:s14] =	ssyncset.done $0x0  }
0xe8: {  	[sflag:s14] =	ssyncadd.s32 $0xFFFF8000  }
0xe9: {  	_ =	swait.ge [sflag:s14], $0x8000  }
0xea: {  	[sflag:s14] =	ssyncset.done $0x0  }
0xeb: {  	[sflag:s14] =	ssyncadd.s32 $0xFFFF8000  }
0xec: {  	_ =	swait.ge [sflag:s14], $0x8000  }
0xed: {  	[sflag:s14] =	ssyncset.done $0x0  }
0xee: {  	[sflag:s14] =	ssyncadd.s32 $0xFFFF8000  }
0xef: {  	_ =	swait.ge [sflag:s14], $0x8000  }
0xf0: {  	[sflag:s14] =	ssyncset.done $0x0  }
0xf1: {  	[sflag:s14] =	ssyncadd.s32 $0xFFFF8000  }
0xf2: {  	_ =	swait.ge [sflag:s14], $0x8000  }
0xf3: {  	[sflag:s14] =	ssyncset.done $0x0  }
0xf4: {  	[sflag:s14] =	ssyncadd.s32 $0xFFFF8000  }
0xf5: {  	_ =	swait.ge [sflag:s14], $0x8000  }
0xf6: {  	[sflag:s14] =	ssyncset.done $0x0  }
0xf7: {  	[sflag:s14] =	ssyncadd.s32 $0xFFFF8000  }
0xf8: {  	_ =	swait.ge [sflag:s14], $0x8000  }
0xf9: {  	[sflag:s14] =	ssyncset.done $0x0  }
0xfa: {  	[sflag:s14] =	ssyncadd.s32 $0xFFFF8000  }
0xfb: {  	_ =	swait.ge [sflag:s14], $0x8000  }
0xfc: {  	[sflag:s14] =	ssyncset.done $0x0  }
0xfd: {  	[sflag:s14] =	ssyncadd.s32 $0xFFFF8000  }
0xfe: {  	_ =	swait.ge [sflag:s14], $0x8000  }
0xff: {  	[sflag:s14] =	ssyncset.done $0x0  }
0x100: {  	[sflag:s14] =	ssyncadd.s32 $0xFFFF8000  }
0x101: {  	_ =	swait.ge [sflag:s14], $0x8000  }
0x102: {  	[sflag:s14] =	ssyncset.done $0x0  }
0x103: {  	[sflag:s14] =	ssyncadd.s32 $0xFFFF8000  }
0x104: {  	_ =	swait.ge [sflag:s14], $0x8000  }
0x105: {  	[sflag:s14] =	ssyncset.done $0x0  }
0x106: {  	[sflag:s14] =	ssyncadd.s32 $0xFFFF8000  }
0x107: {  	_ =	swait.ge [sflag:s14], $0x8000  }
0x108: {  	[sflag:s14] =	ssyncset.done $0x0  }
0x109: {  	[sflag:s14] =	ssyncadd.s32 $0xFFFF8000  }
0x10a: {  	_ =	swait.ge [sflag:s14], $0x8000  }
0x10b: {  	[sflag:s14] =	ssyncset.done $0x0  }
0x10c: {  	[sflag:s14] =	ssyncadd.s32 $0xFFFF8000  }
0x10d: {  	_ =	swait.ge [sflag:s14], $0x8000  }
0x10e: {  	[sflag:s14] =	ssyncset.done $0x0  }
0x10f: {  	[sflag:s14] =	ssyncadd.s32 $0xFFFF8000  }
0x110: {  	_ =	swait.ge [sflag:s14], $0x8000  }
0x111: {  	[sflag:s14] =	ssyncset.done $0x0  }
0x112: {  	[sflag:s14] =	ssyncadd.s32 $0xFFFF8000  }
0x113: {  	s15 =	sadd.s32 $0x1, s15;
	_ =	swait.ge [sflag:s14], $0x8000  }
0x114: {  	p0 =	sne.s32 s15, s6;
	[sflag:s14] =	ssyncset.done $0x0  }
.Ltmp1:
0x115: {  	[sflag:s14] =	ssyncadd.s32 $0xFFFF8000;
	(pc) =	sbr.rel @p0 .LBB2_1-.Ltmp1, $4  }
0x116: {  	[hbm4b:s5+s2] =	stream.linear.scatter [tilespmem:s10], [sflag:$0x2], $0x8000, $0x38;
	[tilespmem:$0xE400] =	vst v63  }
0x117: {  	_ =	swait.ge [sflag:s9], $0x8000  }
0x118: {  	[sflag:s9] =	ssyncset.done $0x0  }
0x119: {  	[sflag:s9] =	ssyncadd.s32 $0xFFFF8000  }
0x11a: {  	_ =	sfence.sel $0x180000  }
0x11b: {  	[bflag:$0x0] =	sbarrier.arrive $0xFFFF  }
0x11c: {  	_ =	strace $0x90000047  }
0x11d: {  	s0 =	stileid.u32;
	[bflag:$0x2] =	sbarrier.arrive $0xFFFF  }
0x11e: {  	p0 =	sne.s32 s0, $0x0;
	s0 =	rddreg [dreg:$0x1]  }
0x11f: {  	s0 =	sadd.s32 @!p0 $0x100000, s0  }
0x120: {  	[sflag:s0] =	ssyncadd.tile.s32 @!p0 $0x1;
	_ =	shalt  }
.Lfunc_end2:
_tile_overlayer_lowered:
.L_overlay_start_2:
0x121: {  	(tag) =	ssettag $0x2  }
0x122: {  	s0 =	rddreg [dreg:$0x0];
	s2 =	stileid.u32  }
0x123: {  	s1 =	rddreg [dreg:$0x1];
	p0 =	sne.s32 s2, $0x0  }
0x124: {  	s3 =	rddreg [dreg:$0x2];
	[bflag:$0x3] =	sbarrier.arrive $0xFFFF;
	s2 =	simm.s32 @!p0 $0x1C02  }
0x125: {  	[timem:s3], [sflag:s2] =	dma.local @!p0 [hbm:s0], s1  }
0x126: {  	s0 =	simm.s32 @!p0 $0x2  }
0x127: {  	_ =	swait.ge @!p0 [sflag:s0], s1  }
0x128: {  	s1 =	ssub.s32 @!p0 $0x0, s1;
	[sflag:s0] =	ssyncset.done @!p0 $0x0  }
0x129: {  	[sflag:s0] =	ssyncadd.s32 @!p0 s1  }
0x12a: {  	[bflag:$0x3] =	sbarrier.arrive $0xFFFF  }
0x12b: {  	_ =	shalt  }

</sc_bundles>
